<compile_context>
chip_gen: v7x
topology: tpu7x:2x2x1
jax: 0.10.2.dev20260603
libtpu: 0.0.44.dev20260713+nightly
codegen_flags: <defaults>
</compile_context>

<pallas_src>
import functools
import jax
import jax.numpy as jnp
from jax import lax
from jax.experimental import pallas as pl
from jax.experimental.pallas import tpu as pltpu
from jax.experimental.pallas import tpu_sc as plsc

NC = 2
NS = 16
NW = NC * NS
L = 16

W = 2048
GROUPS = W // L


def _sc_body(x_hbm, a_hbm, out_s, out_c,
             xb0, xb1, a_all, accs, accc,
             sx0, sx1, sa, *, rows_w, nchunk):
    wid = lax.axis_index("s") * NC + lax.axis_index("c")
    row0 = wid * rows_w

    accs[...] = jnp.zeros((L,), jnp.float32)
    accc[...] = jnp.zeros((L,), jnp.float32)

    iota = lax.broadcasted_iota(jnp.int32, (L,), 0)
    ones = jnp.ones((L,), jnp.float32)

    pltpu.async_copy(a_hbm.at[pl.ds(row0, rows_w)], a_all, sa)

    bufs = ((xb0, sx0), (xb1, sx1))

    def x_copy(c):
        xb, sx = bufs[c % 2]
        return pltpu.make_async_copy(
            x_hbm.at[:, pl.ds(row0 + c * W, W)], xb, sx)

    x_copy(0).start()
    x_copy(1).start()
    pltpu.make_async_copy(a_hbm.at[pl.ds(row0, rows_w)], a_all, sa).wait()

    def run_chunk(c, xb, sx):
        pltpu.make_async_copy(
            x_hbm.at[:, pl.ds(row0 + c * W, W)], xb, sx).wait()

        @plsc.parallel_loop(0, GROUPS, 1, unroll=4)
        def _group(g):
            p = g * L
            av = a_all[pl.ds(c * W + p, L)]
            denom = (
                (jnp.exp(xb[0, pl.ds(p, L)]) + jnp.exp(xb[1, pl.ds(p, L)]))
                + (jnp.exp(xb[2, pl.ds(p, L)]) + jnp.exp(xb[3, pl.ds(p, L)]))
            ) + (
                (jnp.exp(xb[4, pl.ds(p, L)]) + jnp.exp(xb[5, pl.ds(p, L)]))
                + (jnp.exp(xb[6, pl.ds(p, L)]) + jnp.exp(xb[7, pl.ds(p, L)]))
            )
            la = plsc.load_gather(xb, [av, p + iota])
            pa = jnp.exp(la) / denom
            plsc.addupdate_scatter(accs, [av], pa)
            plsc.addupdate_scatter(accc, [av], ones)

        @pl.when(c + 2 < nchunk)
        def _():
            pltpu.make_async_copy(
                x_hbm.at[:, pl.ds(row0 + (c + 2) * W, W)], xb, sx).start()

    def pair(h, _):
        run_chunk(2 * h, xb0, sx0)
        run_chunk(2 * h + 1, xb1, sx1)
        return 0

    lax.fori_loop(0, nchunk // 2, pair, 0)

    pltpu.sync_copy(accs, out_s.at[wid])
    pltpu.sync_copy(accc, out_c.at[wid])


def _make_sc_call(n):
    rows_w = n // NW
    nchunk = rows_w // W
    mesh = plsc.VectorSubcoreMesh(
        core_axis_name="c", subcore_axis_name="s",
        num_cores=NC, num_subcores=NS)
    return pl.kernel(
        functools.partial(_sc_body, rows_w=rows_w, nchunk=nchunk),
        out_type=(
            jax.ShapeDtypeStruct((NW, L), jnp.float32),
            jax.ShapeDtypeStruct((NW, L), jnp.float32),
        ),
        mesh=mesh,
        compiler_params=pltpu.CompilerParams(needs_layout_passes=False),
        scratch_types=[
            pltpu.VMEM((8, W), jnp.float32),
            pltpu.VMEM((8, W), jnp.float32),
            pltpu.VMEM((rows_w,), jnp.int32),
            pltpu.VMEM((L,), jnp.float32),
            pltpu.VMEM((L,), jnp.float32),
            pltpu.SemaphoreType.DMA,
            pltpu.SemaphoreType.DMA,
            pltpu.SemaphoreType.DMA,
        ],
    )


def kernel(adv_logits, A):
    n, k = adv_logits.shape
    assert k == 8
    xt = adv_logits.T
    ai = A.astype(jnp.int32)
    s, c = _make_sc_call(n)(xt, ai)
    s8 = jnp.sum(s, axis=0)[:8]
    c8 = jnp.sum(c, axis=0)[:8]
    term = jnp.where(c8 > 0, 2.0 * c8 - 2.0 * s8, 0.0) / jnp.where(
        c8 > 0, c8, 1.0)
    return jnp.sum(term) - 1.0

# --- scband reference (transcript-rebuilt; emitter-appended) ---
"""Pipeline reference for scband-adversary-loss-45612552684083 (READ-ONLY COPY).

The authoritative reference and input builder live on the scoring server;
editing this copy changes nothing except your own understanding.
"""

import jax, jax.numpy as jnp
import numpy as np


def setup_inputs(seed: int = 0) -> dict:
    key = jax.random.key(seed)
    k1, k2 = jax.random.split(key)
    N, K = 1048576, 8
    adv_logits = jax.random.normal(k1, (N, K), dtype=jnp.float32)
    A = jax.random.randint(k2, (N,), 0, K, dtype=jnp.int64)
    return {"adv_logits": adv_logits, "A": A}


def reference(adv_logits, A):
    K = adv_logits.shape[1]
    one_hot_A = jax.nn.one_hot(A, K, dtype=jnp.float32)
    counts_A = jnp.bincount(A, length=K).astype(jnp.float32)
    pred = jax.nn.softmax(adv_logits, axis=1)
    errors = jnp.sum(jnp.abs(pred - one_hot_A), axis=1)
    loss = jnp.zeros((K,), dtype=adv_logits.dtype).at[A].add(errors)
    loss = jnp.where(counts_A > 0, loss / jnp.where(counts_A > 0, counts_A, 1.0), loss)
    return loss.sum() - 1.0

if __name__ == "__main__":
    import jax
    _d = setup_inputs()
    print(jax.jit(kernel)(*tuple(_d.values())))

</pallas_src>

<mosaic_0001>
#map = affine_map<(d0, d1) -> (0, 0)>
#map1 = affine_map<(d0, d1) -> (0)>
module attributes {stable_mosaic.version = 14 : i64} {
  func.func @_sc_body(%arg0: i32, %arg1: i32, %arg2: memref<8x1048576xf32, #tpu.memory_space<hbm>>, %arg3: memref<1048576xi32, #tpu.memory_space<hbm>>, %arg4: memref<32x16xf32, #tpu.memory_space<hbm>>, %arg5: memref<32x16xf32, #tpu.memory_space<hbm>>, %arg6: memref<8x2048xf32, #tpu.memory_space<vmem>>, %arg7: memref<8x2048xf32, #tpu.memory_space<vmem>>, %arg8: memref<32768xi32, #tpu.memory_space<vmem>>, %arg9: memref<16xf32, #tpu.memory_space<vmem>>, %arg10: memref<16xf32, #tpu.memory_space<vmem>>, %arg11: memref<!tpu.dma_semaphore, #tpu.memory_space<semaphore_mem>>, %arg12: memref<!tpu.dma_semaphore, #tpu.memory_space<semaphore_mem>>, %arg13: memref<!tpu.dma_semaphore, #tpu.memory_space<semaphore_mem>>) attributes {dimension_semantics = [#tpu.dimension_semantics<core_parallel>, #tpu.dimension_semantics<subcore_parallel>], iteration_bounds = array<i64: 2, 16>, scalar_prefetch = 0 : i64, scratch_operands = 8 : i64, tpu.core_type = #tpu.core_type<sc_vector_subcore>, window_params = [{transform_indices = #map}, {transform_indices = #map1}, {transform_indices = #map}, {transform_indices = #map}]} {
    %mul3A = arith.constant 2 : i32
    %mul3A_0 = arith.muli %arg1, %mul3A : i32
    %add3A = arith.addi %mul3A_0, %arg0 : i32
    %mul3A_1 = arith.constant 32768 : i32
    %mul3A_2 = arith.muli %add3A, %mul3A_1 : i32
    %broadcast_in_dim3A = arith.constant 0.000000e+00 : f32
    %broadcast_in_dim3A_3 = vector.broadcast %broadcast_in_dim3A : f32 to vector<16xf32>
    %swap3A = arith.constant 0 : index
    %swap3A_4 = tpu.vector_load %arg9[%swap3A] {strides = array<i32>} : memref<16xf32, #tpu.memory_space<vmem>>, vector<16xf32>,
    tpu.vector_store %arg9[%swap3A], %broadcast_in_dim3A_3 {strides = array<i32>} : memref<16xf32, #tpu.memory_space<vmem>>, vector<16xf32>,
    %broadcast_in_dim3A_5 = arith.constant 0.000000e+00 : f32
    %broadcast_in_dim3A_6 = vector.broadcast %broadcast_in_dim3A_5 : f32 to vector<16xf32>
    %swap3A_7 = arith.constant 0 : index
    %swap3A_8 = tpu.vector_load %arg10[%swap3A_7] {strides = array<i32>} : memref<16xf32, #tpu.memory_space<vmem>>, vector<16xf32>,
    tpu.vector_store %arg10[%swap3A_7], %broadcast_in_dim3A_6 {strides = array<i32>} : memref<16xf32, #tpu.memory_space<vmem>>, vector<16xf32>,
    %iota3A = tpu.iota {dimensions = array<i32: 0>} : vector<16xi32>
    %broadcast_in_dim3A_9 = arith.constant 1.000000e+00 : f32
    %broadcast_in_dim3A_10 = vector.broadcast %broadcast_in_dim3A_9 : f32 to vector<16xf32>
    %dma_start3A = tpu.memref_slice %arg3[%mul3A_2] : memref<1048576xi32, #tpu.memory_space<hbm>> -> memref<32768xi32, #tpu.memory_space<hbm>>
    %dma_start3A_11 = tpu.memref_slice %arg3[%mul3A_2] : memref<1048576xi32, #tpu.memory_space<hbm>> -> memref<32768xi32, #tpu.memory_space<hbm>>
    tpu.enqueue_dma source(%dma_start3A_11 : memref<32768xi32, #tpu.memory_space<hbm>>) target(%arg8 : memref<32768xi32, #tpu.memory_space<vmem>>) target_semaphore(%arg13 : memref<!tpu.dma_semaphore, #tpu.memory_space<semaphore_mem>>)
    %add3A_12 = arith.constant 0 : i32
    %add3A_13 = arith.addi %mul3A_2, %add3A_12 : i32
    %dma_start3A_14 = arith.constant 0 : i32
    %dma_start3A_15 = tpu.memref_slice %arg2[%dma_start3A_14, %add3A_13] : memref<8x1048576xf32, #tpu.memory_space<hbm>> -> memref<8x2048xf32, #tpu.memory_space<hbm>>
    %dma_start3A_16 = arith.constant 0 : i32
    %dma_start3A_17 = tpu.memref_slice %arg2[%dma_start3A_16, %add3A_13] : memref<8x1048576xf32, #tpu.memory_space<hbm>> -> memref<8x2048xf32, #tpu.memory_space<hbm>>
    tpu.enqueue_dma source(%dma_start3A_17 : memref<8x2048xf32, #tpu.memory_space<hbm>>) target(%arg6 : memref<8x2048xf32, #tpu.memory_space<vmem>>) target_semaphore(%arg11 : memref<!tpu.dma_semaphore, #tpu.memory_space<semaphore_mem>>)
    %add3A_18 = arith.constant 2048 : i32
    %add3A_19 = arith.addi %mul3A_2, %add3A_18 : i32
    %dma_start3A_20 = arith.constant 0 : i32
    %dma_start3A_21 = tpu.memref_slice %arg2[%dma_start3A_20, %add3A_19] : memref<8x1048576xf32, #tpu.memory_space<hbm>> -> memref<8x2048xf32, #tpu.memory_space<hbm>>
    %dma_start3A_22 = arith.constant 0 : i32
    %dma_start3A_23 = tpu.memref_slice %arg2[%dma_start3A_22, %add3A_19] : memref<8x1048576xf32, #tpu.memory_space<hbm>> -> memref<8x2048xf32, #tpu.memory_space<hbm>>
    tpu.enqueue_dma source(%dma_start3A_23 : memref<8x2048xf32, #tpu.memory_space<hbm>>) target(%arg7 : memref<8x2048xf32, #tpu.memory_space<vmem>>) target_semaphore(%arg12 : memref<!tpu.dma_semaphore, #tpu.memory_space<semaphore_mem>>)
    %dma_wait3A = tpu.memref_slice %arg3[%mul3A_2] : memref<1048576xi32, #tpu.memory_space<hbm>> -> memref<32768xi32, #tpu.memory_space<hbm>>
    %dma_wait3A_24 = tpu.memref_slice %arg3[%mul3A_2] : memref<1048576xi32, #tpu.memory_space<hbm>> -> memref<32768xi32, #tpu.memory_space<hbm>>
    tpu.wait_dma2 semaphore(%arg13 : memref<!tpu.dma_semaphore, #tpu.memory_space<semaphore_mem>>) src(%dma_wait3A_24 : memref<32768xi32, #tpu.memory_space<hbm>>) dst(%arg8 : memref<32768xi32, #tpu.memory_space<vmem>>)
    %scan3A = arith.constant 0 : i32
    %scan3A_25 = arith.constant 0 : i32
    %scan3A_26 = arith.constant 8 : i32
    %scan3A_27 = arith.addi %scan3A_25, %scan3A_26 : i32
    %scan3A_28 = arith.constant 1 : i32
    %scan3A_29 = scf.for %scan3A_31 = %scan3A_25 to %scan3A_27 step %scan3A_28 iter_args(%scan3A_32 = %scan3A) -> (i32)  : i32 {
      %mul3A_33 = arith.constant 2 : i32
      %mul3A_34 = arith.muli %mul3A_33, %scan3A_31 : i32
      %mul3A_35 = arith.constant 2048 : i32
      %mul3A_36 = arith.muli %mul3A_34, %mul3A_35 : i32
      %add3A_37 = arith.addi %mul3A_2, %mul3A_36 : i32
      %dma_wait3A_38 = arith.constant 0 : i32
      %dma_wait3A_39 = tpu.memref_slice %arg2[%dma_wait3A_38, %add3A_37] : memref<8x1048576xf32, #tpu.memory_space<hbm>> -> memref<8x2048xf32, #tpu.memory_space<hbm>>
      %dma_wait3A_40 = arith.constant 0 : i32
      %dma_wait3A_41 = tpu.memref_slice %arg2[%dma_wait3A_40, %add3A_37] : memref<8x1048576xf32, #tpu.memory_space<hbm>> -> memref<8x2048xf32, #tpu.memory_space<hbm>>
      tpu.wait_dma2 semaphore(%arg11 : memref<!tpu.dma_semaphore, #tpu.memory_space<semaphore_mem>>) src(%dma_wait3A_41 : memref<8x2048xf32, #tpu.memory_space<hbm>>) dst(%arg6 : memref<8x2048xf32, #tpu.memory_space<vmem>>)
      %parallel_loop3A = arith.constant 0 : i32
      %parallel_loop3A_42 = arith.constant 128 : i32
      %parallel_loop3A_43 = arith.constant 1 : i32
      scf.for %parallel_loop3A_70 = %parallel_loop3A to %parallel_loop3A_42 step %parallel_loop3A_43  : i32 {
        %parallel_loop3A_71 = arith.constant 16 : i32
        %parallel_loop3A_72 = arith.muli %parallel_loop3A_70, %parallel_loop3A_71 : i32
        %parallel_loop3A_73 = arith.constant 2048 : i32
        %parallel_loop3A_74 = arith.muli %mul3A_34, %parallel_loop3A_73 : i32
        %parallel_loop3A_75 = arith.addi %parallel_loop3A_74, %parallel_loop3A_72 : i32
        %parallel_loop3A_76 = arith.index_cast %parallel_loop3A_75 : i32 to index
        %parallel_loop3A_77 = tpu.vector_load %arg8[%parallel_loop3A_76] {strides = array<i32>} : memref<32768xi32, #tpu.memory_space<vmem>>, vector<16xi32>,
        %parallel_loop3A_78 = arith.constant 0 : i32
        %parallel_loop3A_79 = arith.index_cast %parallel_loop3A_78 : i32 to index
        %parallel_loop3A_80 = arith.index_cast %parallel_loop3A_72 : i32 to index
        %parallel_loop3A_81 = tpu.vector_load %arg6[%parallel_loop3A_79, %parallel_loop3A_80] {strides = array<i32>} : memref<8x2048xf32, #tpu.memory_space<vmem>>, vector<16xf32>,
        %parallel_loop3A_82 = math.exp %parallel_loop3A_81 : vector<16xf32>
        %parallel_loop3A_83 = arith.constant 1 : i32
        %parallel_loop3A_84 = arith.index_cast %parallel_loop3A_83 : i32 to index
        %parallel_loop3A_85 = arith.index_cast %parallel_loop3A_72 : i32 to index
        %parallel_loop3A_86 = tpu.vector_load %arg6[%parallel_loop3A_84, %parallel_loop3A_85] {strides = array<i32>} : memref<8x2048xf32, #tpu.memory_space<vmem>>, vector<16xf32>,
        %parallel_loop3A_87 = math.exp %parallel_loop3A_86 : vector<16xf32>
        %parallel_loop3A_88 = arith.addf %parallel_loop3A_82, %parallel_loop3A_87 : vector<16xf32>
        %parallel_loop3A_89 = arith.constant 2 : i32
        %parallel_loop3A_90 = arith.index_cast %parallel_loop3A_89 : i32 to index
        %parallel_loop3A_91 = arith.index_cast %parallel_loop3A_72 : i32 to index
        %parallel_loop3A_92 = tpu.vector_load %arg6[%parallel_loop3A_90, %parallel_loop3A_91] {strides = array<i32>} : memref<8x2048xf32, #tpu.memory_space<vmem>>, vector<16xf32>,
        %parallel_loop3A_93 = math.exp %parallel_loop3A_92 : vector<16xf32>
        %parallel_loop3A_94 = arith.constant 3 : i32
        %parallel_loop3A_95 = arith.index_cast %parallel_loop3A_94 : i32 to index
        %parallel_loop3A_96 = arith.index_cast %parallel_loop3A_72 : i32 to index
        %parallel_loop3A_97 = tpu.vector_load %arg6[%parallel_loop3A_95, %parallel_loop3A_96] {strides = array<i32>} : memref<8x2048xf32, #tpu.memory_space<vmem>>, vector<16xf32>,
        %parallel_loop3A_98 = math.exp %parallel_loop3A_97 : vector<16xf32>
        %parallel_loop3A_99 = arith.addf %parallel_loop3A_93, %parallel_loop3A_98 : vector<16xf32>
        %parallel_loop3A_100 = arith.addf %parallel_loop3A_88, %parallel_loop3A_99 : vector<16xf32>
        %parallel_loop3A_101 = arith.constant 4 : i32
        %parallel_loop3A_102 = arith.index_cast %parallel_loop3A_101 : i32 to index
        %parallel_loop3A_103 = arith.index_cast %parallel_loop3A_72 : i32 to index
        %parallel_loop3A_104 = tpu.vector_load %arg6[%parallel_loop3A_102, %parallel_loop3A_103] {strides = array<i32>} : memref<8x2048xf32, #tpu.memory_space<vmem>>, vector<16xf32>,
        %parallel_loop3A_105 = math.exp %parallel_loop3A_104 : vector<16xf32>
        %parallel_loop3A_106 = arith.constant 5 : i32
        %parallel_loop3A_107 = arith.index_cast %parallel_loop3A_106 : i32 to index
        %parallel_loop3A_108 = arith.index_cast %parallel_loop3A_72 : i32 to index
        %parallel_loop3A_109 = tpu.vector_load %arg6[%parallel_loop3A_107, %parallel_loop3A_108] {strides = array<i32>} : memref<8x2048xf32, #tpu.memory_space<vmem>>, vector<16xf32>,
        %parallel_loop3A_110 = math.exp %parallel_loop3A_109 : vector<16xf32>
        %parallel_loop3A_111 = arith.addf %parallel_loop3A_105, %parallel_loop3A_110 : vector<16xf32>
        %parallel_loop3A_112 = arith.constant 6 : i32
        %parallel_loop3A_113 = arith.index_cast %parallel_loop3A_112 : i32 to index
        %parallel_loop3A_114 = arith.index_cast %parallel_loop3A_72 : i32 to index
        %parallel_loop3A_115 = tpu.vector_load %arg6[%parallel_loop3A_113, %parallel_loop3A_114] {strides = array<i32>} : memref<8x2048xf32, #tpu.memory_space<vmem>>, vector<16xf32>,
        %parallel_loop3A_116 = math.exp %parallel_loop3A_115 : vector<16xf32>
        %parallel_loop3A_117 = arith.constant 7 : i32
        %parallel_loop3A_118 = arith.index_cast %parallel_loop3A_117 : i32 to index
        %parallel_loop3A_119 = arith.index_cast %parallel_loop3A_72 : i32 to index
        %parallel_loop3A_120 = tpu.vector_load %arg6[%parallel_loop3A_118, %parallel_loop3A_119] {strides = array<i32>} : memref<8x2048xf32, #tpu.memory_space<vmem>>, vector<16xf32>,
        %parallel_loop3A_121 = math.exp %parallel_loop3A_120 : vector<16xf32>
        %parallel_loop3A_122 = arith.addf %parallel_loop3A_116, %parallel_loop3A_121 : vector<16xf32>
        %parallel_loop3A_123 = arith.addf %parallel_loop3A_111, %parallel_loop3A_122 : vector<16xf32>
        %parallel_loop3A_124 = arith.addf %parallel_loop3A_100, %parallel_loop3A_123 : vector<16xf32>
        %parallel_loop3A_125 = vector.broadcast %parallel_loop3A_72 : i32 to vector<16xi32>
        %parallel_loop3A_126 = arith.addi %parallel_loop3A_125, %iota3A : vector<16xi32>
        %parallel_loop3A_127 = tpu.vector_load_idx %arg6[%parallel_loop3A_77, %parallel_loop3A_126] : memref<8x2048xf32, #tpu.memory_space<vmem>>[vector<16xi32>, vector<16xi32>], vector<16xf32>,
        %parallel_loop3A_128 = math.exp %parallel_loop3A_127 : vector<16xf32>
        %parallel_loop3A_129 = arith.divf %parallel_loop3A_128, %parallel_loop3A_124 : vector<16xf32>
        tpu.vector_store_idx %arg9[%parallel_loop3A_77], %parallel_loop3A_129 {add = true} : memref<16xf32, #tpu.memory_space<vmem>>[vector<16xi32>], vector<16xf32>,
        tpu.vector_store_idx %arg10[%parallel_loop3A_77], %broadcast_in_dim3A_10 {add = true} : memref<16xf32, #tpu.memory_space<vmem>>[vector<16xi32>], vector<16xf32>,
      } {sc.loop_unroll_factor = 4 : i64, sc.parallel_access}
      %add3A_44 = arith.constant 2 : i32
      %add3A_45 = arith.addi %mul3A_34, %add3A_44 : i32
      %lt3A = arith.constant 16 : i32
      %lt3A_46 = arith.cmpi slt, %add3A_45, %lt3A : i32
      %convert_element_type3A = arith.extui %lt3A_46 : i1 to i32
      %cond3A = arith.constant 0 : i32
      %cond3A_47 = arith.cmpi ne, %convert_element_type3A, %cond3A : i32
      scf.if %cond3A_47 {
        %add3A_70 = arith.constant 2 : i32
        %add3A_71 = arith.addi %mul3A_34, %add3A_70 : i32
        %mul3A_72 = arith.constant 2048 : i32
        %mul3A_73 = arith.muli %add3A_71, %mul3A_72 : i32
        %add3A_74 = arith.addi %mul3A_2, %mul3A_73 : i32
        %dma_start3A_75 = arith.constant 0 : i32
        %dma_start3A_76 = tpu.memref_slice %arg2[%dma_start3A_75, %add3A_74] : memref<8x1048576xf32, #tpu.memory_space<hbm>> -> memref<8x2048xf32, #tpu.memory_space<hbm>>
        %dma_start3A_77 = arith.constant 0 : i32
        %dma_start3A_78 = tpu.memref_slice %arg2[%dma_start3A_77, %add3A_74] : memref<8x1048576xf32, #tpu.memory_space<hbm>> -> memref<8x2048xf32, #tpu.memory_space<hbm>>
        tpu.enqueue_dma source(%dma_start3A_78 : memref<8x2048xf32, #tpu.memory_space<hbm>>) target(%arg6 : memref<8x2048xf32, #tpu.memory_space<vmem>>) target_semaphore(%arg11 : memref<!tpu.dma_semaphore, #tpu.memory_space<semaphore_mem>>)
      } else {
      }
      %mul3A_48 = arith.constant 2 : i32
      %mul3A_49 = arith.muli %mul3A_48, %scan3A_31 : i32
      %add3A_50 = arith.constant 1 : i32
      %add3A_51 = arith.addi %mul3A_49, %add3A_50 : i32
      %mul3A_52 = arith.constant 2048 : i32
      %mul3A_53 = arith.muli %add3A_51, %mul3A_52 : i32
      %add3A_54 = arith.addi %mul3A_2, %mul3A_53 : i32
      %dma_wait3A_55 = arith.constant 0 : i32
      %dma_wait3A_56 = tpu.memref_slice %arg2[%dma_wait3A_55, %add3A_54] : memref<8x1048576xf32, #tpu.memory_space<hbm>> -> memref<8x2048xf32, #tpu.memory_space<hbm>>
      %dma_wait3A_57 = arith.constant 0 : i32
      %dma_wait3A_58 = tpu.memref_slice %arg2[%dma_wait3A_57, %add3A_54] : memref<8x1048576xf32, #tpu.memory_space<hbm>> -> memref<8x2048xf32, #tpu.memory_space<hbm>>
      tpu.wait_dma2 semaphore(%arg12 : memref<!tpu.dma_semaphore, #tpu.memory_space<semaphore_mem>>) src(%dma_wait3A_58 : memref<8x2048xf32, #tpu.memory_space<hbm>>) dst(%arg7 : memref<8x2048xf32, #tpu.memory_space<vmem>>)
      %parallel_loop3A_59 = arith.constant 0 : i32
      %parallel_loop3A_60 = arith.constant 128 : i32
      %parallel_loop3A_61 = arith.constant 1 : i32
      scf.for %parallel_loop3A_70 = %parallel_loop3A_59 to %parallel_loop3A_60 step %parallel_loop3A_61  : i32 {
        %parallel_loop3A_71 = arith.constant 16 : i32
        %parallel_loop3A_72 = arith.muli %parallel_loop3A_70, %parallel_loop3A_71 : i32
        %parallel_loop3A_73 = arith.constant 2048 : i32
        %parallel_loop3A_74 = arith.muli %add3A_51, %parallel_loop3A_73 : i32
        %parallel_loop3A_75 = arith.addi %parallel_loop3A_74, %parallel_loop3A_72 : i32
        %parallel_loop3A_76 = arith.index_cast %parallel_loop3A_75 : i32 to index
        %parallel_loop3A_77 = tpu.vector_load %arg8[%parallel_loop3A_76] {strides = array<i32>} : memref<32768xi32, #tpu.memory_space<vmem>>, vector<16xi32>,
        %parallel_loop3A_78 = arith.constant 0 : i32
        %parallel_loop3A_79 = arith.index_cast %parallel_loop3A_78 : i32 to index
        %parallel_loop3A_80 = arith.index_cast %parallel_loop3A_72 : i32 to index
        %parallel_loop3A_81 = tpu.vector_load %arg7[%parallel_loop3A_79, %parallel_loop3A_80] {strides = array<i32>} : memref<8x2048xf32, #tpu.memory_space<vmem>>, vector<16xf32>,
        %parallel_loop3A_82 = math.exp %parallel_loop3A_81 : vector<16xf32>
        %parallel_loop3A_83 = arith.constant 1 : i32
        %parallel_loop3A_84 = arith.index_cast %parallel_loop3A_83 : i32 to index
        %parallel_loop3A_85 = arith.index_cast %parallel_loop3A_72 : i32 to index
        %parallel_loop3A_86 = tpu.vector_load %arg7[%parallel_loop3A_84, %parallel_loop3A_85] {strides = array<i32>} : memref<8x2048xf32, #tpu.memory_space<vmem>>, vector<16xf32>,
        %parallel_loop3A_87 = math.exp %parallel_loop3A_86 : vector<16xf32>
        %parallel_loop3A_88 = arith.addf %parallel_loop3A_82, %parallel_loop3A_87 : vector<16xf32>
        %parallel_loop3A_89 = arith.constant 2 : i32
        %parallel_loop3A_90 = arith.index_cast %parallel_loop3A_89 : i32 to index
        %parallel_loop3A_91 = arith.index_cast %parallel_loop3A_72 : i32 to index
        %parallel_loop3A_92 = tpu.vector_load %arg7[%parallel_loop3A_90, %parallel_loop3A_91] {strides = array<i32>} : memref<8x2048xf32, #tpu.memory_space<vmem>>, vector<16xf32>,
        %parallel_loop3A_93 = math.exp %parallel_loop3A_92 : vector<16xf32>
        %parallel_loop3A_94 = arith.constant 3 : i32
        %parallel_loop3A_95 = arith.index_cast %parallel_loop3A_94 : i32 to index
        %parallel_loop3A_96 = arith.index_cast %parallel_loop3A_72 : i32 to index
        %parallel_loop3A_97 = tpu.vector_load %arg7[%parallel_loop3A_95, %parallel_loop3A_96] {strides = array<i32>} : memref<8x2048xf32, #tpu.memory_space<vmem>>, vector<16xf32>,
        %parallel_loop3A_98 = math.exp %parallel_loop3A_97 : vector<16xf32>
        %parallel_loop3A_99 = arith.addf %parallel_loop3A_93, %parallel_loop3A_98 : vector<16xf32>
        %parallel_loop3A_100 = arith.addf %parallel_loop3A_88, %parallel_loop3A_99 : vector<16xf32>
        %parallel_loop3A_101 = arith.constant 4 : i32
        %parallel_loop3A_102 = arith.index_cast %parallel_loop3A_101 : i32 to index
        %parallel_loop3A_103 = arith.index_cast %parallel_loop3A_72 : i32 to index
        %parallel_loop3A_104 = tpu.vector_load %arg7[%parallel_loop3A_102, %parallel_loop3A_103] {strides = array<i32>} : memref<8x2048xf32, #tpu.memory_space<vmem>>, vector<16xf32>,
        %parallel_loop3A_105 = math.exp %parallel_loop3A_104 : vector<16xf32>
        %parallel_loop3A_106 = arith.constant 5 : i32
        %parallel_loop3A_107 = arith.index_cast %parallel_loop3A_106 : i32 to index
        %parallel_loop3A_108 = arith.index_cast %parallel_loop3A_72 : i32 to index
        %parallel_loop3A_109 = tpu.vector_load %arg7[%parallel_loop3A_107, %parallel_loop3A_108] {strides = array<i32>} : memref<8x2048xf32, #tpu.memory_space<vmem>>, vector<16xf32>,
        %parallel_loop3A_110 = math.exp %parallel_loop3A_109 : vector<16xf32>
        %parallel_loop3A_111 = arith.addf %parallel_loop3A_105, %parallel_loop3A_110 : vector<16xf32>
        %parallel_loop3A_112 = arith.constant 6 : i32
        %parallel_loop3A_113 = arith.index_cast %parallel_loop3A_112 : i32 to index
        %parallel_loop3A_114 = arith.index_cast %parallel_loop3A_72 : i32 to index
        %parallel_loop3A_115 = tpu.vector_load %arg7[%parallel_loop3A_113, %parallel_loop3A_114] {strides = array<i32>} : memref<8x2048xf32, #tpu.memory_space<vmem>>, vector<16xf32>,
        %parallel_loop3A_116 = math.exp %parallel_loop3A_115 : vector<16xf32>
        %parallel_loop3A_117 = arith.constant 7 : i32
        %parallel_loop3A_118 = arith.index_cast %parallel_loop3A_117 : i32 to index
        %parallel_loop3A_119 = arith.index_cast %parallel_loop3A_72 : i32 to index
        %parallel_loop3A_120 = tpu.vector_load %arg7[%parallel_loop3A_118, %parallel_loop3A_119] {strides = array<i32>} : memref<8x2048xf32, #tpu.memory_space<vmem>>, vector<16xf32>,
        %parallel_loop3A_121 = math.exp %parallel_loop3A_120 : vector<16xf32>
        %parallel_loop3A_122 = arith.addf %parallel_loop3A_116, %parallel_loop3A_121 : vector<16xf32>
        %parallel_loop3A_123 = arith.addf %parallel_loop3A_111, %parallel_loop3A_122 : vector<16xf32>
        %parallel_loop3A_124 = arith.addf %parallel_loop3A_100, %parallel_loop3A_123 : vector<16xf32>
        %parallel_loop3A_125 = vector.broadcast %parallel_loop3A_72 : i32 to vector<16xi32>
        %parallel_loop3A_126 = arith.addi %parallel_loop3A_125, %iota3A : vector<16xi32>
        %parallel_loop3A_127 = tpu.vector_load_idx %arg7[%parallel_loop3A_77, %parallel_loop3A_126] : memref<8x2048xf32, #tpu.memory_space<vmem>>[vector<16xi32>, vector<16xi32>], vector<16xf32>,
        %parallel_loop3A_128 = math.exp %parallel_loop3A_127 : vector<16xf32>
        %parallel_loop3A_129 = arith.divf %parallel_loop3A_128, %parallel_loop3A_124 : vector<16xf32>
        tpu.vector_store_idx %arg9[%parallel_loop3A_77], %parallel_loop3A_129 {add = true} : memref<16xf32, #tpu.memory_space<vmem>>[vector<16xi32>], vector<16xf32>,
        tpu.vector_store_idx %arg10[%parallel_loop3A_77], %broadcast_in_dim3A_10 {add = true} : memref<16xf32, #tpu.memory_space<vmem>>[vector<16xi32>], vector<16xf32>,
      } {sc.loop_unroll_factor = 4 : i64, sc.parallel_access}
      %add3A_62 = arith.constant 2 : i32
      %add3A_63 = arith.addi %add3A_51, %add3A_62 : i32
      %lt3A_64 = arith.constant 16 : i32
      %lt3A_65 = arith.cmpi slt, %add3A_63, %lt3A_64 : i32
      %convert_element_type3A_66 = arith.extui %lt3A_65 : i1 to i32
      %cond3A_67 = arith.constant 0 : i32
      %cond3A_68 = arith.cmpi ne, %convert_element_type3A_66, %cond3A_67 : i32
      scf.if %cond3A_68 {
        %add3A_70 = arith.constant 2 : i32
        %add3A_71 = arith.addi %add3A_51, %add3A_70 : i32
        %mul3A_72 = arith.constant 2048 : i32
        %mul3A_73 = arith.muli %add3A_71, %mul3A_72 : i32
        %add3A_74 = arith.addi %mul3A_2, %mul3A_73 : i32
        %dma_start3A_75 = arith.constant 0 : i32
        %dma_start3A_76 = tpu.memref_slice %arg2[%dma_start3A_75, %add3A_74] : memref<8x1048576xf32, #tpu.memory_space<hbm>> -> memref<8x2048xf32, #tpu.memory_space<hbm>>
        %dma_start3A_77 = arith.constant 0 : i32
        %dma_start3A_78 = tpu.memref_slice %arg2[%dma_start3A_77, %add3A_74] : memref<8x1048576xf32, #tpu.memory_space<hbm>> -> memref<8x2048xf32, #tpu.memory_space<hbm>>
        tpu.enqueue_dma source(%dma_start3A_78 : memref<8x2048xf32, #tpu.memory_space<hbm>>) target(%arg7 : memref<8x2048xf32, #tpu.memory_space<vmem>>) target_semaphore(%arg12 : memref<!tpu.dma_semaphore, #tpu.memory_space<semaphore_mem>>)
      } else {
      }
      %scan3A_69 = arith.constant 0 : i32
      scf.yield %scan3A_69 : i32
    }
    %scan3A_30 = arith.constant 8 : i32
    "tpu.region"() ({
      %run_scoped3A = tpu.sem_alloc : memref<!tpu.dma_semaphore, #tpu.memory_space<semaphore_mem>>
      %dma_start3A_31 = arith.constant 0 : i32
      %dma_start3A_32 = tpu.memref_slice %arg4[%add3A, %dma_start3A_31] : memref<32x16xf32, #tpu.memory_space<hbm>> -> memref<1x16xf32, #tpu.memory_space<hbm>>
      %dma_start3A_33 = tpu.memref_squeeze %dma_start3A_32 : memref<1x16xf32, #tpu.memory_space<hbm>> -> memref<16xf32, #tpu.memory_space<hbm>>
      %dma_start3A_34 = arith.constant 0 : i32
      %dma_start3A_35 = tpu.memref_slice %arg4[%add3A, %dma_start3A_34] : memref<32x16xf32, #tpu.memory_space<hbm>> -> memref<1x16xf32, #tpu.memory_space<hbm>>
      %dma_start3A_36 = tpu.memref_squeeze %dma_start3A_35 : memref<1x16xf32, #tpu.memory_space<hbm>> -> memref<16xf32, #tpu.memory_space<hbm>>
      tpu.enqueue_dma source(%arg9 : memref<16xf32, #tpu.memory_space<vmem>>) target(%dma_start3A_36 : memref<16xf32, #tpu.memory_space<hbm>>) target_semaphore(%run_scoped3A : memref<!tpu.dma_semaphore, #tpu.memory_space<semaphore_mem>>)
      %dma_wait3A_37 = arith.constant 0 : i32
      %dma_wait3A_38 = tpu.memref_slice %arg4[%add3A, %dma_wait3A_37] : memref<32x16xf32, #tpu.memory_space<hbm>> -> memref<1x16xf32, #tpu.memory_space<hbm>>
      %dma_wait3A_39 = tpu.memref_squeeze %dma_wait3A_38 : memref<1x16xf32, #tpu.memory_space<hbm>> -> memref<16xf32, #tpu.memory_space<hbm>>
      %dma_wait3A_40 = arith.constant 0 : i32
      %dma_wait3A_41 = tpu.memref_slice %arg4[%add3A, %dma_wait3A_40] : memref<32x16xf32, #tpu.memory_space<hbm>> -> memref<1x16xf32, #tpu.memory_space<hbm>>
      %dma_wait3A_42 = tpu.memref_squeeze %dma_wait3A_41 : memref<1x16xf32, #tpu.memory_space<hbm>> -> memref<16xf32, #tpu.memory_space<hbm>>
      tpu.wait_dma2 semaphore(%run_scoped3A : memref<!tpu.dma_semaphore, #tpu.memory_space<semaphore_mem>>) src(%arg9 : memref<16xf32, #tpu.memory_space<vmem>>) dst(%dma_wait3A_42 : memref<16xf32, #tpu.memory_space<hbm>>)
      tpu.yield
    }) : () -> ()
    "tpu.region"() ({
      %run_scoped3A = tpu.sem_alloc : memref<!tpu.dma_semaphore, #tpu.memory_space<semaphore_mem>>
      %dma_start3A_31 = arith.constant 0 : i32
      %dma_start3A_32 = tpu.memref_slice %arg5[%add3A, %dma_start3A_31] : memref<32x16xf32, #tpu.memory_space<hbm>> -> memref<1x16xf32, #tpu.memory_space<hbm>>
      %dma_start3A_33 = tpu.memref_squeeze %dma_start3A_32 : memref<1x16xf32, #tpu.memory_space<hbm>> -> memref<16xf32, #tpu.memory_space<hbm>>
      %dma_start3A_34 = arith.constant 0 : i32
      %dma_start3A_35 = tpu.memref_slice %arg5[%add3A, %dma_start3A_34] : memref<32x16xf32, #tpu.memory_space<hbm>> -> memref<1x16xf32, #tpu.memory_space<hbm>>
      %dma_start3A_36 = tpu.memref_squeeze %dma_start3A_35 : memref<1x16xf32, #tpu.memory_space<hbm>> -> memref<16xf32, #tpu.memory_space<hbm>>
      tpu.enqueue_dma source(%arg10 : memref<16xf32, #tpu.memory_space<vmem>>) target(%dma_start3A_36 : memref<16xf32, #tpu.memory_space<hbm>>) target_semaphore(%run_scoped3A : memref<!tpu.dma_semaphore, #tpu.memory_space<semaphore_mem>>)
      %dma_wait3A_37 = arith.constant 0 : i32
      %dma_wait3A_38 = tpu.memref_slice %arg5[%add3A, %dma_wait3A_37] : memref<32x16xf32, #tpu.memory_space<hbm>> -> memref<1x16xf32, #tpu.memory_space<hbm>>
      %dma_wait3A_39 = tpu.memref_squeeze %dma_wait3A_38 : memref<1x16xf32, #tpu.memory_space<hbm>> -> memref<16xf32, #tpu.memory_space<hbm>>
      %dma_wait3A_40 = arith.constant 0 : i32
      %dma_wait3A_41 = tpu.memref_slice %arg5[%add3A, %dma_wait3A_40] : memref<32x16xf32, #tpu.memory_space<hbm>> -> memref<1x16xf32, #tpu.memory_space<hbm>>
      %dma_wait3A_42 = tpu.memref_squeeze %dma_wait3A_41 : memref<1x16xf32, #tpu.memory_space<hbm>> -> memref<16xf32, #tpu.memory_space<hbm>>
      tpu.wait_dma2 semaphore(%run_scoped3A : memref<!tpu.dma_semaphore, #tpu.memory_space<semaphore_mem>>) src(%arg10 : memref<16xf32, #tpu.memory_space<vmem>>) dst(%dma_wait3A_42 : memref<16xf32, #tpu.memory_space<hbm>>)
      tpu.yield
    }) : () -> ()
    return
  }
}

</mosaic_0001>

<sc_bundles>
// kernel: kernel.3.cloned.1.call-start
scs
__scs_entry_jumppad:
0x0: {  	(pc) =	sbr.rel $0x88, $3  }
0x1: {  	(tag) =	ssettag $0x0;
	lr =	simm.s32 $0x1  }
0x2: {  	[smem:$0x3F9F] =	sst lr;
	_ =	strace $0xD0000000  }
0x3: {  	_ = 	snop  }
0x4: {  	_ = 	snop  }
0x5: {  	_ = 	snop  }
0x6: {  	_ = 	snop  }
0x7: {  	_ = 	snop  }
__scs_overlays_trampoline_lowered:
0x8: {  	[smem:$0x3FAE] =	sst s0  }
0x9: {  	[smem:$0x3FAF] =	sst s1  }
0xa: {  	[smem:$0x3FB0] =	sst s2  }
0xb: {  	[smem:$0x3FB1] =	sst s3  }
0xc: {  	[smem:$0x3FB2] =	sst s4  }
0xd: {  	[smem:$0x3FB3] =	sst s5  }
0xe: {  	[smem:$0x3FB4] =	sst s6  }
0xf: {  	[smem:$0x3FB5] =	sst s7  }
0x10: {  	[smem:$0x3FB6] =	sst s8  }
0x11: {  	[smem:$0x3FB7] =	sst s9;
	s0 =	simm.s32 @!p0 $0x0  }
0x12: {  	s1 =	sld [smem:$0x3F9D];
	s0 =	simm.s32 @p0 $0x1  }
0x13: {  	[smem:$0x3FB8] =	sst s0;
	s0 =	simm.s32 @!p1 $0x0  }
0x14: {  	s2 =	sld [smem:$0x3F9C];
	s0 =	simm.s32 @p1 $0x1  }
0x15: {  	[smem:$0x3FB9] =	sst s0;
	s0 =	simm.s32 @!p2 $0x0  }
0x16: {  	s3 =	sld [smem:$0x3FDB];
	s0 =	simm.s32 @p2 $0x1  }
0x17: {  	s4 =	simm.s32 $0x1BF5;
	[smem:$0x3FBB] =	sst s0  }
0x18: {  	s0 =	sld [smem:$0x3F9E];
	_ =	swait.ge [sflag:s4], $0x0  }
0x19: {  	s7 =	sld [smem:$0x3F9F]  }
0x1a: {  	s8 =	sadd.s32 $0xFFFFE003, lr  }
0x1b: {  	s9 =	sadd.s32 $0xFFFFFEF7, lr;
	s5 =	simm.s32 $0xFFFFFFFF;
	p2 =	slt.u32 s8, $0xFFFFF086  }
0x1c: {  	p1 =	slt.u32 s9, $0xF7A;
	s5 =	simm.s32 @!p2 $0x0  }
0x1d: {  	s5 =	simm.s32 @p1 $0x1;
	p0 =	seq.s32 s7, s2  }
0x1e: {  	s7 =	smul.u32 @!p0 $0xF7A, s2;
	p2 =	seq.s32 @!p0 s5, $0x0  }
0x1f: {  	s9 =	smul.u32 $0xF7A, s1;
	s8 =	simm.s32 @!p0 $0x1BF5;
	p2 =	por !p2, p0  }
0x20: {  	[sflag:s8] =	ssyncset.s32 @!p0 $0xFFFFF086;
	s6 =	sadd.s32 @!p0 s3, s7;
	s7 =	simm.s32 @!p0 $0x108  }
0x21: {  	s3 =	sadd.s32 s3, s9;
	s6 =	sadd.s32 @!p0 $0x88, s6;
	s7 =	simm.s32 @p2 $0x1082  }
0x22: {  	[simem:s7], [sflag:s8] =	dma.local @!p0 [hbm:s6], $0xF7A  }
0x23: {  	s9 =	sor.u32 $0xD0000000, s2;
	s6 =	simm.s32 $0x108;
	_ =	swait.ge @!p0 [sflag:s8], $0x0  }
0x24: {  	s3 =	sadd.s32 $0x88, s3;
	s6 =	simm.s32 @!p1 $0x1082;
	[sflag:s4] =	ssyncset.s32 $0xFFFFF086  }
0x25: {  	[simem:s6], [sflag:s4] =	dma.local [hbm:s3], $0xF7A  }
0x26: {  	[smem:$0x3F9F] =	sst s1;
	(tag) =	ssettag s2;
	_ =	strace s9  }
0x27: {  	s1 =	sld [smem:$0x3FAF]  }
0x28: {  	s2 =	sld [smem:$0x3FB0]  }
0x29: {  	s4 =	sld [smem:$0x3FB2]  }
0x2a: {  	p0 =	seq.s32 s5, $0x0;
	s5 =	sld [smem:$0x3FB3]  }
0x2b: {  	s6 =	sld [smem:$0x3FB4]  }
0x2c: {  	s7 =	sld [smem:$0x3FB5]  }
0x2d: {  	s3 =	simm.s32 $0x108;
	s8 =	sld [smem:$0x3FB6]  }
0x2e: {  	s3 =	simm.s32 @!p0 $0x1082;
	s9 =	sld [smem:$0x3FB7]  }
0x2f: {  	lr =	sadd.s32 s0, s3;
	s0 =	sld [smem:$0x3FAE]  }
0x30: {  	s3 =	sld [smem:$0x3FB1]  }
0x31: {  	[smem:$0x3FBA] =	sst s10  }
0x32: {  	s10 =	sld [smem:$0x3FB8];
	_ =	sdelay $0x3  }
0x33: {  	p0 =	seq.s32 s10, $0x1;
	s10 =	sld [smem:$0x3FBA];
	_ =	sdelay $0x3  }
0x34: {  	[smem:$0x3FBA] =	sst s10  }
0x35: {  	s10 =	sld [smem:$0x3FB9];
	_ =	sdelay $0x3  }
0x36: {  	p1 =	seq.s32 s10, $0x1;
	s10 =	sld [smem:$0x3FBA];
	_ =	sdelay $0x3  }
0x37: {  	[smem:$0x3FBA] =	sst s10  }
0x38: {  	s10 =	sld [smem:$0x3FBB]  }
0x39: {  	_ = 	snop;
	(pc) =	sbr.ind lr, $3  }
0x3a: {  	_ = 	snop  }
0x3b: {  	_ = 	snop  }
0x3c: {  	p2 =	seq.s32 s10, $0x1;
	s10 =	sld [smem:$0x3FBA]  }
0x3d: {  	_ =	shalt  }
0x3e: {  	_ =	shalt  }
0x3f: {  	_ =	shalt  }
0x40: {  	_ =	shalt  }
0x41: {  	_ =	shalt  }
0x42: {  	_ =	shalt  }
0x43: {  	_ =	shalt  }
0x44: {  	_ =	shalt  }
0x45: {  	_ =	shalt  }
0x46: {  	_ =	shalt  }
0x47: {  	_ =	shalt  }
0x48: {  	_ =	shalt  }
0x49: {  	_ =	shalt  }
0x4a: {  	_ =	shalt  }
0x4b: {  	_ =	shalt  }
0x4c: {  	_ =	shalt  }
0x4d: {  	_ =	shalt  }
0x4e: {  	_ =	shalt  }
0x4f: {  	_ =	shalt  }
0x50: {  	_ =	shalt  }
0x51: {  	_ =	shalt  }
0x52: {  	_ =	shalt  }
0x53: {  	_ =	shalt  }
0x54: {  	_ =	shalt  }
0x55: {  	_ =	shalt  }
0x56: {  	_ =	shalt  }
0x57: {  	_ =	shalt  }
0x58: {  	_ =	shalt  }
0x59: {  	_ =	shalt  }
0x5a: {  	_ =	shalt  }
0x5b: {  	_ =	shalt  }
0x5c: {  	_ =	shalt  }
0x5d: {  	_ =	shalt  }
0x5e: {  	_ =	shalt  }
0x5f: {  	_ =	shalt  }
0x60: {  	_ =	shalt  }
0x61: {  	_ =	shalt  }
0x62: {  	_ =	shalt  }
0x63: {  	_ =	shalt  }
0x64: {  	_ =	shalt  }
0x65: {  	_ =	shalt  }
0x66: {  	_ =	shalt  }
0x67: {  	_ =	shalt  }
0x68: {  	_ =	shalt  }
0x69: {  	_ =	shalt  }
0x6a: {  	_ =	shalt  }
0x6b: {  	_ =	shalt  }
0x6c: {  	_ =	shalt  }
0x6d: {  	_ =	shalt  }
0x6e: {  	_ =	shalt  }
0x6f: {  	_ =	shalt  }
0x70: {  	_ =	shalt  }
0x71: {  	_ =	shalt  }
0x72: {  	_ =	shalt  }
0x73: {  	_ =	shalt  }
0x74: {  	_ =	shalt  }
0x75: {  	_ =	shalt  }
0x76: {  	_ =	shalt  }
0x77: {  	_ =	shalt  }
0x78: {  	_ =	shalt  }
0x79: {  	_ =	shalt  }
0x7a: {  	_ =	shalt  }
0x7b: {  	_ =	shalt  }
0x7c: {  	_ =	shalt  }
0x7d: {  	_ =	shalt  }
0x7e: {  	_ =	shalt  }
0x7f: {  	_ =	shalt  }
0x80: {  	_ =	shalt  }
0x81: {  	_ =	shalt  }
0x82: {  	_ =	shalt  }
0x83: {  	_ =	shalt  }
0x84: {  	_ =	shalt  }
0x85: {  	_ =	shalt  }
0x86: {  	_ =	shalt  }
0x87: {  	_ =	shalt  }
.Lfunc_end0:
.L_simem_size_0:
called_computation_lowered:
.L_overlay_start_0:
0x88: {  	s2 =	sld [smem:$0x3FD9]  }
0x89: {  	s3 =	sld [smem:$0x3FFE];
	_ =	sdelay $0x1  }
0x8a: {  	s1 =	srdreg.scid  }
0x8b: {  	s0 =	sand.u32 $0x1, s1  }
0x8c: {  	s17 =	sshll.u32 s0, $0xA;
	s2 =	sadd.s32 s3, s2  }
0x8d: {  	s2 =	sadd.s32 s2, s17  }
0x8e: {  	[smem:$0x3FC6] =	sst s2  }
0x8f: {  	_ = 	snop  }
0x90: {  	s2 =	sld [smem:$0x3FC9]  }
0x91: {  	s18 =	sld [smem:$0x3FC8];
	(tm) =	ssettm $0x1  }
0x92: {  	s4 =	sld [smem:$0x3FFB];
	_ =	sdelay $0x3  }
0x93: {  	_ =	strace s4  }
0x94: {  	s4 =	sld [smem:$0x3FFC];
	_ =	sdelay $0x3  }
0x95: {  	_ =	strace s4  }
0x96: {  	s4 =	sld [smem:$0x3FFD];
	_ =	sdelay $0x3  }
0x97: {  	_ =	strace s4  }
0x98: {  	_ =	strace $0x8FFFFFFF  }
0x99: {  	s19 =	sld [smem:$0x3FDB];
	_ =	sdelay $0x1  }
0x9a: {  	s5 =	simm.s32 $_scs_section_size  }
0x9b: {  	s6 =	simm.s32 $_size__tile_overlayer_lowered;
	s7 =	simm.s32 $_tile_overlayer_lowered  }
0x9c: {  	s22 =	simm.s32 $0x1BFF;
	s21 =	sshll.u32 s7, $0x1;
	s4 =	sadd.s32 s5, s19  }
0x9d: {  	s8 =	simm.s32 $0x0;
	s20 =	sshll.u32 s6, $0x1;
	s6 =	sadd.s32 s21, s4  }
0x9e: {  	[timem:s8], [sflag:s22] =	dma.local [hbm:s6], s20  }
0x9f: {  	_ =	swait.ge [sflag:s22], s20  }
0xa0: {  	s5 =	ssub.s32 $0x0, s20;
	[sflag:s22] =	ssyncset.done $0x0  }
0xa1: {  	[sflag:s22] =	ssyncadd.s32 s5;
	_ =	sdelay $0x1  }
0xa2: {  	s23 =	simm.s32 $0x1B8B  }
0xa3: {  	_ =	swait.ge [sflag:s23], $0x1  }
0xa4: {  	[sflag:s23] =	ssyncset.done $0x0  }
0xa5: {  	s25 =	simm.s32 $0x1B8E;
	s24 =	sld [smem:$0x3FFE];
	[sflag:s23] =	ssyncadd.s32 $0xFFFFFFFF  }
0xa6: {  	s26 =	simm.s32 $execute0_lowered;
	[smem:$0x3FD2] =	sst s25  }
0xa7: {  	s6 =	sshll.u32 s26, $0x1;
	_ =	strace $0x80000046;
	[dreg:$0x1] =	wrdreg $0xFFFFFFFF  }
0xa8: {  	s28 =	simm.s32 $_size_execute0_lowered;
	s4 =	sadd.s32 s4, s6;
	[dreg:$0x0] =	wrdreg $0x0  }
0xa9: {  	s6 =	sshll.u32 s28, $0x1;
	[dreg:$0x2] =	wrdreg s4  }
0xaa: {  	[dreg:$0x3] =	wrdreg s6  }
0xab: {  	[dreg:$0x4] =	wrdreg $0xC0  }
0xac: {  	_ =	task [dreg:s8], $0x5FFFF  }
0xad: {  	[dreg:$0x1] =	wrdreg $0xFFFFFFFF  }
0xae: {  	[dreg:$0x0] =	wrdreg $0x60  }
0xaf: {  	[dreg:$0x2] =	wrdreg s2  }
0xb0: {  	[dreg:$0x3] =	wrdreg s18  }
0xb1: {  	[dreg:$0x4] =	wrdreg s24  }
0xb2: {  	[dreg:$0x5] =	wrdreg $0x9  }
0xb3: {  	_ =	task.clear_ibuf [dreg:s8], $0x6FFFF;
	_ =	strace $0x90000046  }
0xb4: {  	s29 =	simm.s32 $0x9;
	_ =	strace $0x80000048  }
0xb5: {  	_ =	swait.ge [sflag:s29], $0x1  }
0xb6: {  	[sflag:s29] =	ssyncadd.s32 $0xFFFFFFFF  }
0xb7: {  	_ =	strace $0x90000048  }
0xb8: {  	_ =	sfence  }
0xb9: {  	s30 =	sld [smem:$0x0];
	_ =	sdelay $0x2  }
0xba: {  	s31 =	sshll.u32 s1, $0xD;
	s1 =	sshrl.u32 s1, $0x2  }
0xbb: {  	s3 =	sand.u32 $0x4000, s31;
	s1 =	sadd.s32 s1, s30  }
0xbc: {  	s0 =	sor.u32 s3, s0;
	s1 =	sshll.u32 s1, $0x11  }
0xbd: {  	s0 =	sor.u32 s1, s0  }
0xbe: {  	s0 =	sadd.s32 $0x8F2B, s0  }
0xbf: {  	[sflag:s0] =	ssyncadd.remote.s32 $0x1  }
0xc0: {  	_ =	sfence.sel $0xFFFF  }
0xc1: {  	[dreg:$0x0] =	wrdreg $0xFFFFFFFF;
	(pc) =	sbr.abs _section_cstart, $3  }
0xc2: {  	[dreg:$0x1] =	wrdreg $0xFFFFFFFF  }
0xc3: {  	_ =	task.clear_ibuf [dreg:s8], $0x2FFFF;
	_ =	strace $0x9FFFFFFF  }
0xc4: {  	(tm) =	ssettm $0x7FFFFFFF  }
0xc5: {  	_ =	shalt  }
tec
execute0_lowered:
.L_overlay_start_1:
0x0: {  	(tag) =	ssettag $0x1  }
0x1: {  	s0 =	rddreg [dreg:$0x0]  }
0x2: {  	s4 =	srdreg.scid;
	s6 =	stileid.u32  }
0x3: {  	s1 =	rddreg [dreg:$0x1];
	s4 =	sand.u32 $0x1, s4;
	s6 =	sshll.u32 s6, $0x1  }
0x4: {  	s3 =	rddreg [dreg:$0x2];
	s2 =	simm.s32 $0x0;
	s6 =	sor.u32 s4, s6  }
0x5: {  	[smem:$0x7FF] =	sst s2;
	s5 =	ssub.s32 $0x2, s4;
	s4 =	sshll.u32 s6, $0xC  }
0x6: {  	_ =	strace $0x80000047;
	s25 =	sshll.u32 s6, $0xF;
	s1 =	sadd.s32 s1, s4  }
0x7: {  	s28 =	sshll.u32 s6, $0x4;
	s26 =	sadd.s32 s0, s25;
	[dreg:$0x6] =	wrdreg s1  }
0x8: {  	s0 =	sadd.s32 s3, s28;
	[dreg:$0x7] =	wrdreg s26  }
0x9: {  	s12 =	simm.s32 $0x4000;
	s29 =	sadd.s32 $0x800, s26;
	[dreg:$0xa] =	wrdreg s0  }
.Ltmp0:
0xa: {  	s30 =	sadd.s32 $0x1000, s26;
	[dreg:$0x8] =	wrdreg s29;
	(pc) =	sbr.rel .LBB2_1-.Ltmp0, $4  }
0xb: {  	s7 =	sshrl.u32 s5, $0x1;
	s1 =	sadd.s32 $0x1800, s26;
	[dreg:$0x9] =	wrdreg s30  }
0xc: {  	s10 =	ssub.s32 s5, s7;
	s0 =	sadd.s32 $0x200, s0;
	[dreg:$0xb] =	wrdreg s1  }
0xd: {  	s15 =	simm.s32 $0x10000;
	s31 =	smax.u32 s10, $0x1;
	[dreg:$0xc] =	wrdreg s0  }
0xe: {  	s16 =	simm.s32 $0x10080;
	v0 =	vimm.f32 $0.0e+00;
	v1 =	vlaneseq.u32;
	v2 =	vimm.f32 $1.000000000e+00;
	s3 =	simm.s32 $0x0;
	[dreg:$0xd] =	wrdreg s31  }
.LBB2_8:
0xf: {  	s0 =	rddreg [dreg:$0xc];
	s1 =	simm.s32 $0x4  }
0x10: {  	[hbm4b:s0+s2] =	stream.linear.scatter [tilespmem:s15], [sflag:$0x4], $0x80, $0x38;
	[tilespmem:$0x10100] =	vst v63  }
0x11: {  	_ =	swait.ge [sflag:s1], $0x80  }
0x12: {  	[sflag:s1] =	ssyncset.done $0x0  }
0x13: {  	s30 =	rddreg [dreg:$0xa];
	[sflag:s1] =	ssyncadd.s32 $0xFFFFFF80  }
0x14: {  	[hbm4b:s30+s2] =	stream.linear.scatter [tilespmem:s16], [sflag:$0x4], $0x80, $0x38;
	[tilespmem:$0x10100] =	vst v63  }
0x15: {  	_ =	swait.ge [sflag:s1], $0x80  }
0x16: {  	s3 =	rddreg [dreg:$0xe]  }
0x17: {  	s31 =	rddreg [dreg:$0xd];
	s3 =	sadd.s32 $0x1, s3  }
0x18: {  	p0 =	sne.s32 s3, s31  }
.Ltmp1:
0x19: {  	_ = 	snop;
	(pc) =	sbr.rel @!p0 .LBB2_9-.Ltmp1, $3  }
0x1a: {  	_ =	sdelay $0x1  }
0x1b: {  	[sflag:s1] =	ssyncset.done $0x0  }
0x1c: {  	[sflag:s1] =	ssyncadd.s32 $0xFFFFFF80  }
.LBB2_1:
0x1d: {  	[dreg:$0xe] =	wrdreg s3;
	[tilespmem:$0x10000] =	vst v0  }
0x1e: {  	[tilespmem:$0x10080] =	vst v0;
	s0 =	rddreg [dreg:$0x6];
	s1 =	simm.s32 $0x8000  }
0x1f: {  	[tilespmem:s1], [sflag:$0x3] =	stream.linear.gather [hbm4b:s0+s2], $0x8000, $0x38;
	[tilespmem:$0x10100] =	vst v63  }
0x20: {  	s29 =	rddreg [dreg:$0x7]  }
0x21: {  	[tilespmem:s2], [sflag:$0x1] =	stream.linear.gather [hbm4b:s29+s2], $0x4000, $0x38;
	[tilespmem:$0x10100] =	vst v63  }
0x22: {  	s30 =	rddreg [dreg:$0x8];
	s31 =	simm.s32 $0x3  }
0x23: {  	[tilespmem:s12], [sflag:$0x2] =	stream.linear.gather [hbm4b:s30+s2], $0x4000, $0x38;
	[tilespmem:$0x10100] =	vst v63  }
0x24: {  	_ =	swait.ge [sflag:s31], $0x8000  }
0x25: {  	[sflag:s31] =	ssyncset.done $0x0  }
0x26: {  	s20 =	simm.s32 $0x0;
	[sflag:s31] =	ssyncadd.s32 $0xFFFF8000  }
.LBB2_2:
0x27: {  	s0 =	simm.s32 $0x1  }
0x28: {  	s21 =	sshll.u32 s20, $0xC;
	s30 =	simm.s32 $0x0;
	s1 =	simm.s32 $0x30  }
0x29: {  	_ =	swait.ge [sflag:s0], $0x4000;
	s3 =	sadd.s32 $0x8000, s21;
	s23 =	sand.u32 $0x3C00, s30  }
0x2a: {  	s11 =	sand.u32 $0x70, s1;
	s31 =	sand.u32 $0x7, s30;
	[sflag:s0] =	ssyncset.done $0x0  }
0x2b: {  	[dreg:$0x4] =	wrdreg s3;
	s22 =	sor.u32 s11, s23;
	[sflag:s0] =	ssyncadd.s32 $0xFFFFC000  }
0x2c: {  	s3 =	sshll.u32 s31, $0x4;
	v3 =	vld [tilespmem:s22+$0x0]  }
0x2d: {  	s3 =	sadd.s32 $0x0, s3;
	v4 =	vld [tilespmem:s22+$0x80]  }
0x2e: {  	v5 =	vld [tilespmem:s22+$0x100];
	s25 =	sadd.s32 $0x30, s3  }
0x2f: {  	s24 =	simm.s32 $0x0;
	v6 =	vld [tilespmem:s22+$0x180];
	s4 =	sor.u32 $0x200, s25  }
0x30: {  	s28 =	sand.u32 $0x780, s24;
	s6 =	sor.u32 $0x300, s25;
	v7 =	vld [tilespmem:s4+$0x0]  }
0x31: {  	s26 =	rddreg [dreg:$0x4];
	s5 =	sor.u32 $0x280, s25;
	s25 =	sor.u32 $0x380, s25;
	v9 =	vld [tilespmem:s6+$0x0]  }
0x32: {  	s7 =	sadd.s32 s28, s26;
	v11 =	vld [tilespmem:s25+$0x0];
	v3 =	vmul.f32 $1.442695020e+00, v3  }
0x33: {  	s11 =	sadd.s32 s11, s7;
	v8 =	vld [tilespmem:s5+$0x0];
	v4 =	vmul.f32 $1.442695020e+00, v4  }
0x34: {  	v10 =	vld [tilespmem:s11+$0x0];
	v5 =	vmul.f32 $1.442695020e+00, v5;
	(erf) = vpow2.f32 v3  }
0x35: {  	v3 =	vmul.f32 $1.442695020e+00, v6;
	(erf) = vpow2.f32 v4  }
0x36: {  	v4 =	vmul.f32 $1.442695020e+00, v7;
	v7 =	vmul.f32 $1.442695020e+00, v9  }
0x37: {  	s3 =	sadd.s32 $0x10, s3;
	v9 =	vmul.f32 $1.442695020e+00, v11;
	(erf) = vpow2.f32 v5  }
0x38: {  	s0 =	sand.u32 $0x3, s30;
	s8 =	sor.u32 $0x200, s3;
	v5 =	vmul.f32 $1.442695020e+00, v8;
	(erf) = vpow2.f32 v3  }
0x39: {  	s0 =	sshll.u32 s0, $0x5;
	s9 =	sor.u32 $0x280, s3;
	v6 =	vld [tilespmem:s8+$0x0];
	v11 =	vshll.u32 v10, $0xB;
	(erf) = vpow2.f32 v4;
	v4 =	vmov s1  }
0x3a: {  	s0 =	sadd.s32 $0x0, s0;
	s10 =	sor.u32 $0x300, s3;
	v8 =	vld [tilespmem:s9+$0x0];
	v3 =	vor.u32 s1, v1;
	(erf) = vpow2.f32 v5;
	v4 =	vshll.u32 v4, $0x3  }
0x3b: {  	s13 =	sor.u32 $0x380, s3;
	s0 =	sadd.s32 $0x20, s0;
	v3 =	vand.u32 $0x7F, v3;
	v5 =	vld [tilespmem:s10+$0x0];
	(erf) = vpow2.f32 v7;
	v4 =	vand.u32 $0x3C00, v4  }
0x3c: {  	s17 =	sor.u32 $0x280, s0;
	v7 =	vld [tilespmem:s13+$0x0];
	v3 =	vor.u32 v4, v3;
	v4 =	vand.u32 $0xFFFFC000, v11;
	v11 =	vshll.u32 v10, $0x7  }
0x3d: {  	s18 =	sor.u32 $0x300, s0;
	v12 =	vld [tilespmem:s17+$0x0];
	(erf) = vpow2.f32 v9;
	v11 =	vand.u32 $0x380, v11  }
0x3e: {  	p0 =	por $0x0, $0x0;
	s14 =	sor.u32 $0x200, s0;
	v13 =	vld [tilespmem:s18+$0x0];
	s1 =	simm.s32 $0x1;
	v6 =	vmul.f32 $1.442695020e+00, v6;
	v3 =	vor.u32 v4, v3  }
0x3f: {  	s1 =	simm.s32 @!p0 $0x0;
	v9 =	vld [tilespmem:s14+$0x0];
	v8 =	vmul.f32 $1.442695020e+00, v8;
	v3 =	vor.u32 v11, v3;
	v4 =	vpop (erf)  }
0x40: {  	s19 =	simm.s32 $0x10;
	s0 =	sor.u32 $0x380, s0;
	s1 =	sshll.u32 s1, $0x6;
	v5 =	vmul.f32 $1.442695020e+00, v5;
	v11 =	vpop (erf)  }
0x41: {  	v14 =	vmov s19;
	v17 =	vor.u32 s19, v1;
	v15 =	vld [tilespmem:s0+$0x0];
	s25 =	sadd.s32 $0x0, s1;
	v7 =	vmul.f32 $1.442695020e+00, v7;
	v16 =	vpop (erf)  }
0x42: {  	v14 =	vshll.u32 v14, $0x3;
	s26 =	simm.s32 $0x20;
	v12 =	vmul.f32 $1.442695020e+00, v12;
	s1 =	sor.u32 $0x200, s25;
	(erf) = vpow2.f32 v6;
	v6 =	vpop (erf)  }
0x43: {  	v18 =	vmov s26;
	v13 =	vmul.f32 $1.442695020e+00, v13;
	v19 =	vld [tilespmem:s1+$0x0];
	(erf) = vpow2.f32 v8;
	v8 =	vpop (erf)  }
0x44: {  	v20 =	vor.u32 s26, v1;
	s28 =	sor.u32 $0x280, s25;
	v9 =	vmul.f32 $1.442695020e+00, v9;
	(erf) = vpow2.f32 v5;
	v3 =	vld.idx.msk [tilespmem:v3+s2+$0x0], $0xffff;
	v5 =	vpop (erf)  }
0x45: {  	s29 =	sor.u32 $0x300, s25;
	v4 =	vadd.f32 v11, v4;
	v6 =	vadd.f32 v6, v16;
	v16 =	vld [tilespmem:s28+$0x0];
	(erf) = vpow2.f32 v7;
	v7 =	vpop (erf)  }
0x46: {  	s30 =	sand.u32 $0x40, s24;
	v15 =	vmul.f32 $1.442695020e+00, v15;
	s3 =	sor.u32 $0x380, s25;
	(erf) = vpow2.f32 v9;
	v5 =	vadd.f32 v5, v8;
	v9 =	vld [tilespmem:s29+$0x0];
	v11 =	vpop (erf)  }
0x47: {  	s31 =	sor.u32 s30, s23;
	v4 =	vadd.f32 v6, v4;
	(erf) = vpow2.f32 v12;
	v12 =	vld [tilespmem:s3+$0x0];
	v7 =	vadd.f32 v11, v7  }
0x48: {  	v11 =	vmul.f32 $1.442695020e+00, v19;
	(erf) = vpow2.f32 v13;
	v13 =	vand.u32 $0x3C00, v14;
	v14 =	vld [tilespmem:s31+$0x80]  }
0x49: {  	(erf) = vpow2.f32 v15;
	v3 =	vmul.f32 $1.442695020e+00, v3;
	v5 =	vadd.f32 v7, v5  }
0x4a: {  	v8 =	vshll.u32 v18, $0x3;
	v6 =	vand.u32 $0x5F, v17;
	v7 =	vld [tilespmem:s31+$0x0];
	(erf) = vpow2.f32 v11  }
0x4b: {  	s4 =	sand.u32 $0x50, s19;
	v11 =	vld [tilespmem:s31+$0x100];
	(erf) = vpow2.f32 v3;
	v3 =	vmul.f32 $1.442695020e+00, v9;
	v4 =	vadd.f32 v5, v4  }
0x4c: {  	s11 =	sor.u32 s4, s23;
	v9 =	vld [tilespmem:s31+$0x180];
	v5 =	vand.u32 $0x3C00, v8;
	v8 =	vmul.f32 $1.442695020e+00, v16;
	v12 =	vmul.f32 $1.442695020e+00, v12  }
0x4d: {  	v15 =	vpop (erf);
	v6 =	vor.u32 v13, v6;
	v16 =	vld [tilespmem:s11+$0x0];
	v14 =	vmul.f32 $1.442695020e+00, v14;
	(erf) = vrcp.f32 v4  }
0x4e: {  	v18 =	vld [tilespmem:s11+$0x80];
	v13 =	vpop (erf);
	v4 =	vand.u32 $0x6F, v20;
	(erf) = vpow2.f32 v8;
	v8 =	vmov s24  }
0x4f: {  	s0 =	sand.u32 $0x60, s26;
	v17 =	vpop (erf);
	v20 =	vld [tilespmem:s11+$0x100];
	v7 =	vmul.f32 $1.442695020e+00, v7;
	(erf) = vpow2.f32 v3;
	v3 =	vor.u32 s24, v1  }
0x50: {  	s23 =	sor.u32 s0, s23;
	v19 =	vpop (erf);
	v11 =	vmul.f32 $1.442695020e+00, v11;
	(erf) = vpow2.f32 v12;
	v3 =	vand.u32 $0x4F, v3;
	v12 =	vld [tilespmem:s11+$0x180]  }
0x51: {  	v21 =	vpop (erf);
	(erf) = vpow2.f32 v7;
	v7 =	vshll.u32 v8, $0x3;
	v8 =	vmul.f32 $1.442695020e+00, v9;
	v9 =	vld [tilespmem:s23+$0x0]  }
0x52: {  	v22 =	vpop (erf);
	(erf) = vpow2.f32 v14;
	v7 =	vand.u32 $0x3C00, v7;
	v14 =	vmul.f32 $1.442695020e+00, v16;
	v16 =	vld [tilespmem:s23+$0x80]  }
0x53: {  	v23 =	vpop (erf);
	(erf) = vpow2.f32 v11;
	v11 =	vor.u32 v7, v3;
	v7 =	vld [tilespmem:s23+$0x100]  }
0x54: {  	v24 =	vpop (erf);
	v3 =	vmul.f32 $1.442695020e+00, v18;
	(erf) = vpow2.f32 v8  }
0x55: {  	v25 =	vld [tilespmem:s23+$0x180];
	s3 =	sadd.s32 s4, s7;
	v13 =	vadd.f32 v13, v15;
	v20 =	vmul.f32 $1.442695020e+00, v20;
	v8 =	vpop (erf);
	(erf) = vpow2.f32 v14  }
0x56: {  	s1 =	sadd.s32 s30, s7;
	v18 =	vor.u32 v5, v4;
	v4 =	vld [tilespmem:s3+$0x0];
	v12 =	vmul.f32 $1.442695020e+00, v12;
	v14 =	vpop (erf);
	(erf) = vpow2.f32 v3  }
0x57: {  	s0 =	sadd.s32 s0, s7;
	v17 =	vadd.f32 v19, v17;
	v5 =	vld [tilespmem:s1+$0x0];
	v9 =	vmul.f32 $1.442695020e+00, v9;
	v15 =	vpop (erf);
	v16 =	vmul.f32 $1.442695020e+00, v16  }
0x58: {  	v3 =	vld [tilespmem:s0+$0x0];
	v19 =	vpop (erf);
	(erf) = vpow2.f32 v20;
	v20 =	vadd.f32 v22, v21;
	v22 =	vmul.f32 $1.442695020e+00, v7  }
0x59: {  	v14 =	vmul.f32 v15, v14;
	v21 =	vpop (erf);
	(erf) = vpow2.f32 v12;
	v12 =	vadd.f32 v24, v23  }
0x5a: {  	v8 =	vadd.f32 v19, v8;
	v23 =	vpop (erf);
	(erf) = vpow2.f32 v9;
	v9 =	vadd.f32 v17, v13  }
0x5b: {  	v13 =	vmul.f32 $1.442695020e+00, v25;
	v25 =	vshll.u32 v4, $0x7;
	v17 =	vpop (erf);
	(erf) = vpow2.f32 v16  }
0x5c: {  	s5 =	simm.s32 $0x200;
	s6 =	simm.s32 $0x70;
	s8 =	simm.s32 $0x4;
	v7 =	vadd.f32 v12, v20;
	v12 =	vshll.u32 v5, $0xB;
	v16 =	vpop (erf);
	(erf) = vpow2.f32 v22  }
0x5d: {  	s22 =	sand.u32 $0x3C00, s5;
	s7 =	sand.u32 $0x70, s6;
	s3 =	sand.u32 $0x7, s8;
	v20 =	vshll.u32 v5, $0x7;
	v27 =	vshll.u32 v3, $0x7;
	v24 =	vpop (erf);
	(erf) = vpow2.f32 v13  }
0x5e: {  	s26 =	simm.s32 $0x40;
	s9 =	sor.u32 s7, s22;
	s3 =	sshll.u32 s3, $0x4;
	v19 =	vadd.f32 v23, v21;
	v22 =	vshll.u32 v4, $0xB;
	v12 =	vand.u32 $0xFFFFC000, v12;
	v15 =	vpop (erf)  }
0x5f: {  	s13 =	rddreg [dreg:$0x4];
	s29 =	sand.u32 $0x780, s26;
	s3 =	sadd.s32 $0x200, s3;
	v23 =	vld [tilespmem:s9+$0x80];
	v20 =	vand.u32 $0x380, v20;
	v13 =	vshll.u32 v3, $0xB;
	v11 =	vor.u32 v12, v11;
	v26 =	vpop (erf)  }
0x60: {  	s23 =	sadd.s32 s29, s13;
	s10 =	sadd.s32 $0x30, s3;
	s3 =	sadd.s32 $0x10, s3;
	v12 =	vadd.f32 v16, v17;
	v13 =	vand.u32 $0xFFFFC000, v13;
	v15 =	vadd.f32 v15, v24;
	v21 =	vpop (erf)  }
0x61: {  	s1 =	sadd.s32 s7, s23;
	s7 =	sor.u32 $0x300, s3;
	v22 =	vand.u32 $0xFFFFC000, v22;
	v18 =	vor.u32 v13, v18;
	v13 =	vor.u32 v20, v11;
	v20 =	vld [tilespmem:s9+$0x0];
	v16 =	vpop (erf)  }
0x62: {  	s17 =	sor.u32 $0x280, s10;
	v29 =	vld [tilespmem:s7+$0x0];
	v8 =	vadd.f32 v19, v8;
	v6 =	vor.u32 v22, v6;
	v12 =	vadd.f32 v15, v12;
	v19 =	vpop (erf)  }
0x63: {  	s19 =	sor.u32 $0x380, s10;
	v11 =	vand.u32 $0x380, v25;
	v24 =	vld [tilespmem:s17+$0x0];
	v17 =	vadd.f32 v21, v26;
	v15 =	vadd.f32 v19, v16;
	v16 =	vpop (erf)  }
0x64: {  	s24 =	simm.s32 $0x60;
	s14 =	sor.u32 $0x200, s10;
	v23 =	vmul.f32 $1.442695020e+00, v23;
	v21 =	vand.u32 $0x380, v27;
	v27 =	vld [tilespmem:s19+$0x0];
	v8 =	vadd.f32 v8, v12;
	v19 =	vpop (erf)  }
0x65: {  	v12 =	vor.u32 v21, v18;
	v18 =	vmov s24;
	v21 =	vld [tilespmem:s14+$0x0];
	v17 =	vadd.f32 v15, v17;
	v22 =	vpop (erf)  }
0x66: {  	v20 =	vmul.f32 $1.442695020e+00, v20;
	v15 =	vor.u32 v11, v6;
	v19 =	vadd.f32 v19, v16;
	v16 =	vld [tilespmem:s9+$0x100];
	v6 =	vpop (erf)  }
0x67: {  	(erf) = vrcp.f32 v8;
	v11 =	vadd.f32 v9, v17;
	v9 =	vadd.f32 v6, v22;
	v6 =	vld [tilespmem:s9+$0x180]  }
0x68: {  	s31 =	sor.u32 $0x200, s3;
	v25 =	vshll.u32 v18, $0x3;
	v18 =	vld [tilespmem:s1+$0x0];
	(erf) = vpow2.f32 v20  }
0x69: {  	v28 =	vmov s6;
	v33 =	vmov s26;
	s18 =	sor.u32 $0x300, s10;
	(erf) = vpow2.f32 v23;
	v23 =	vld [tilespmem:s31+$0x0]  }
0x6a: {  	v34 =	vor.u32 s26, v1;
	s25 =	simm.s32 $0x50;
	s29 =	simm.s32 $0x2;
	v29 =	vmul.f32 $1.442695020e+00, v29;
	v26 =	vld [tilespmem:s18+$0x0];
	v24 =	vmul.f32 $1.442695020e+00, v24  }
0x6b: {  	s30 =	sand.u32 $0x3, s29;
	v8 =	vmov s25;
	v20 =	vor.u32 s6, v1;
	v16 =	vmul.f32 $1.442695020e+00, v16  }
0x6c: {  	s4 =	sshll.u32 s30, $0x5;
	v27 =	vmul.f32 $1.442695020e+00, v27;
	v20 =	vand.u32 $0x7F, v20;
	v6 =	vmul.f32 $1.442695020e+00, v6  }
0x6d: {  	s5 =	sor.u32 $0x280, s3;
	s6 =	sadd.s32 $0x200, s4;
	v21 =	vmul.f32 $1.442695020e+00, v21;
	v30 =	vshll.u32 v18, $0x7;
	(erf) = vpow2.f32 v16  }
0x6e: {  	s3 =	sor.u32 $0x380, s3;
	s0 =	sadd.s32 $0x20, s6;
	v30 =	vand.u32 $0x380, v30;
	v16 =	vld [tilespmem:s5+$0x0];
	v23 =	vmul.f32 $1.442695020e+00, v23;
	(erf) = vpow2.f32 v6  }
0x6f: {  	s8 =	sor.u32 $0x200, s0;
	v6 =	vmul.f32 $1.442695020e+00, v26;
	v26 =	vshll.u32 v28, $0x3;
	(erf) = vpow2.f32 v21;
	v21 =	vld [tilespmem:s3+$0x0]  }
0x70: {  	p0 =	por !p0, !p0;
	s18 =	sand.u32 $0x40, s26;
	s9 =	sor.u32 $0x280, s0;
	v28 =	vshll.u32 v18, $0xB;
	v26 =	vand.u32 $0x3C00, v26;
	(erf) = vpow2.f32 v24;
	v24 =	vld [tilespmem:s8+$0x0]  }
0x71: {  	s29 =	sand.u32 $0x60, s24;
	s26 =	sand.u32 $0x50, s25;
	s19 =	sor.u32 s18, s22;
	v28 =	vand.u32 $0xFFFFC000, v28;
	v20 =	vor.u32 v26, v20;
	v26 =	vld [tilespmem:s9+$0x0];
	(erf) = vpow2.f32 v6  }
0x72: {  	s28 =	sor.u32 s26, s22;
	s22 =	sor.u32 s29, s22;
	v36 =	vld [tilespmem:s19+$0x80];
	s1 =	simm.s32 $0x1;
	v8 =	vshll.u32 v8, $0x3;
	v20 =	vor.u32 v28, v20;
	(erf) = vpow2.f32 v27  }
0x73: {  	v58 =	vld [tilespmem:s22+$0x180];
	s1 =	simm.s32 @!p0 $0x0;
	v17 =	vor.u32 s25, v1;
	v8 =	vand.u32 $0x3C00, v8;
	v6 =	vpop (erf);
	v20 =	vor.u32 v30, v20  }
0x74: {  	v13 =	vld.idx.msk [tilespmem:v13+s2+$0x0], $0xffff;
	s1 =	sshll.u32 s1, $0x6;
	v17 =	vand.u32 $0x5F, v17;
	s10 =	sor.u32 $0x300, s0;
	v28 =	vmul.f32 $1.442695020e+00, v16;
	v30 =	vpop (erf);
	v21 =	vmul.f32 $1.442695020e+00, v21  }
0x75: {  	s1 =	sadd.s32 $0x200, s1;
	s0 =	sor.u32 $0x380, s0;
	v16 =	vor.u32 v8, v17;
	v27 =	vld [tilespmem:s10+$0x0];
	(erf) = vpow2.f32 v23;
	v23 =	vpop (erf);
	v17 =	vmul.f32 $1.442695020e+00, v24  }
0x76: {  	s13 =	sor.u32 $0x200, s1;
	v31 =	vld [tilespmem:s0+$0x0];
	(erf) = vpow2.f32 v28;
	v24 =	vpop (erf);
	v26 =	vmul.f32 $1.442695020e+00, v26  }
0x77: {  	v32 =	vld [tilespmem:s13+$0x0];
	(erf) = vpow2.f32 v29;
	v29 =	vpop (erf)  }
0x78: {  	v25 =	vand.u32 $0x3C00, v25;
	s14 =	sor.u32 $0x280, s1;
	s17 =	sor.u32 $0x300, s1;
	s1 =	sor.u32 $0x380, s1;
	v54 =	vmul.f32 $1.442695020e+00, v36;
	(erf) = vpow2.f32 v21;
	v20 =	vld.idx.msk [tilespmem:v20+s2+$0x0], $0xffff;
	v21 =	vpop (erf)  }
0x79: {  	v9 =	vadd.f32 v9, v19;
	v19 =	vld [tilespmem:s1+$0x0];
	v23 =	vadd.f32 v23, v30;
	(erf) = vpow2.f32 v17;
	v17 =	vpop (erf)  }
0x7a: {  	v8 =	vld [tilespmem:s14+$0x0];
	v27 =	vmul.f32 $1.442695020e+00, v27;
	(erf) = vpow2.f32 v26;
	v24 =	vadd.f32 v29, v24;
	v26 =	vpop (erf)  }
0x7b: {  	v60 =	vmul.f32 $1.442695020e+00, v58;
	v31 =	vmul.f32 $1.442695020e+00, v31;
	v28 =	vld [tilespmem:s17+$0x0];
	v17 =	vadd.f32 v17, v21;
	v29 =	vpop (erf)  }
0x7c: {  	v35 =	vld [tilespmem:s19+$0x0];
	(erf) = vpow2.f32 v27;
	v23 =	vadd.f32 v24, v23;
	v21 =	vadd.f32 v29, v26  }
0x7d: {  	v22 =	vor.u32 s24, v1;
	(erf) = vpow2.f32 v31;
	v20 =	vmul.f32 $1.442695020e+00, v20  }
0x7e: {  	v13 =	vmul.f32 $1.442695020e+00, v13;
	v32 =	vmul.f32 $1.442695020e+00, v32;
	v30 =	vld [tilespmem:s19+$0x100];
	v17 =	vadd.f32 v21, v17  }
0x7f: {  	v22 =	vand.u32 $0x6F, v22;
	v19 =	vmul.f32 $1.442695020e+00, v19;
	v8 =	vmul.f32 $1.442695020e+00, v8;
	v29 =	vld [tilespmem:s19+$0x180];
	v53 =	vpop (erf)  }
0x80: {  	v28 =	vmul.f32 $1.442695020e+00, v28;
	v27 =	vld [tilespmem:s28+$0x0];
	(erf) = vpow2.f32 v32;
	v17 =	vadd.f32 v17, v23;
	v23 =	vpop (erf)  }
0x81: {  	v57 =	vadd.f32 v7, v9;
	v24 =	vmul.f32 $1.442695020e+00, v35;
	v31 =	vld [tilespmem:s28+$0x80];
	(erf) = vpow2.f32 v20;
	v20 =	vpop (erf)  }
0x82: {  	v55 =	vld [tilespmem:s28+$0x100];
	v21 =	vshll.u32 v33, $0x3;
	(erf) = vrcp.f32 v17;
	v17 =	vor.u32 v25, v22;
	v22 =	vpop (erf)  }
0x83: {  	v56 =	vld [tilespmem:s28+$0x180];
	v26 =	vand.u32 $0x4F, v34;
	v21 =	vand.u32 $0x3C00, v21;
	(erf) = vpow2.f32 v8;
	v8 =	vpop (erf)  }
0x84: {  	v21 =	vor.u32 v21, v26;
	v26 =	vmul.f32 $1.442695020e+00, v29;
	v29 =	vld [tilespmem:s22+$0x0];
	(erf) = vpow2.f32 v28;
	v9 =	vpop (erf)  }
0x85: {  	v25 =	vmul.f32 $1.442695020e+00, v27;
	v27 =	vld [tilespmem:s22+$0x80];
	(erf) = vpow2.f32 v19;
	v19 =	vadd.f32 v22, v20;
	v20 =	vpop (erf)  }
0x86: {  	v37 =	vld [tilespmem:s22+$0x100];
	s0 =	sadd.s32 s18, s23;
	v30 =	vmul.f32 $1.442695020e+00, v30;
	v31 =	vmul.f32 $1.442695020e+00, v31;
	v59 =	vpop (erf)  }
0x87: {  	v7 =	vld [tilespmem:s0+$0x0];
	s3 =	sadd.s32 s26, s23;
	v28 =	vmul.f32 $1.442695020e+00, v55;
	(erf) = vpow2.f32 v24;
	v20 =	vadd.f32 v59, v20  }
0x88: {  	v22 =	vmul.f32 $1.442695020e+00, v56;
	v24 =	vadd.f32 v9, v8;
	v8 =	vld [tilespmem:s3+$0x0];
	(erf) = vpow2.f32 v54  }
0x89: {  	s30 =	sadd.s32 s29, s23;
	v23 =	vadd.f32 v23, v53;
	v29 =	vmul.f32 $1.442695020e+00, v29;
	(erf) = vpow2.f32 v30  }
0x8a: {  	v9 =	vld [tilespmem:s30+$0x0];
	v27 =	vmul.f32 $1.442695020e+00, v27;
	(erf) = vpow2.f32 v26;
	v26 =	vpop (erf)  }
0x8b: {  	v23 =	vadd.f32 v19, v23;
	v19 =	vadd.f32 v20, v24;
	(erf) = vpow2.f32 v25;
	v20 =	vpop (erf)  }
0x8c: {  	v30 =	vmul.f32 $1.442695020e+00, v37;
	v24 =	vshll.u32 v7, $0xB;
	(erf) = vpow2.f32 v31;
	v31 =	vpop (erf)  }
0x8d: {  	v61 =	vshll.u32 v8, $0xB;
	(erf) = vpow2.f32 v28;
	v20 =	vmul.f32 v31, v20;
	v31 =	vpop (erf)  }
0x8e: {  	v24 =	vand.u32 $0xFFFFC000, v24;
	v62 =	vpop (erf);
	(erf) = vpow2.f32 v22;
	v22 =	vand.u32 $0xFFFFC000, v61  }
0x8f: {  	v12 =	vld.idx.msk [tilespmem:v12+s2+$0x0], $0xffff;
	v25 =	vshll.u32 v7, $0x7;
	v21 =	vor.u32 v24, v21;
	v28 =	vshll.u32 v9, $0xB;
	v63 =	vpop (erf)  }
0x90: {  	v15 =	vld.idx.msk [tilespmem:v15+s2+$0x0], $0xffff;
	v24 =	vand.u32 $0x380, v25;
	v28 =	vand.u32 $0xFFFFC000, v28;
	(erf) = vpow2.f32 v29;
	v41 =	vpop (erf)  }
0x91: {  	v29 =	vshll.u32 v8, $0x7;
	v16 =	vor.u32 v22, v16;
	(erf) = vpow2.f32 v27;
	v22 =	vpop (erf)  }
0x92: {  	s23 =	simm.s32 $0xB0;
	s22 =	simm.s32 $0x400;
	v21 =	vor.u32 v24, v21;
	v17 =	vor.u32 v28, v17;
	v24 =	vand.u32 $0x380, v29;
	v25 =	vpop (erf)  }
0x93: {  	s24 =	simm.s32 $0x8;
	s31 =	sand.u32 $0x70, s23;
	s26 =	sand.u32 $0x3C00, s22;
	v29 =	vadd.f32 v31, v26;
	(erf) = vpow2.f32 v30;
	v26 =	vor.u32 v24, v16;
	v28 =	vpop (erf)  }
0x94: {  	s4 =	sand.u32 $0x7, s24;
	s5 =	sor.u32 s31, s26;
	(erf) = vpow2.f32 v60;
	v22 =	vadd.f32 v22, v41;
	v16 =	vpop (erf);
	v25 =	vadd.f32 v28, v25  }
0x95: {  	s1 =	sshll.u32 s4, $0x4;
	v12 =	vmul.f32 $1.442695020e+00, v12;
	v15 =	vmul.f32 $1.442695020e+00, v15;
	v31 =	vld [tilespmem:s5+$0x0];
	v24 =	vadd.f32 v63, v62;
	v30 =	vpop (erf)  }
0x96: {  	s1 =	sadd.s32 $0x400, s1;
	v40 =	vshll.u32 v9, $0x7;
	(erf) = vrcp.f32 v11;
	v11 =	vld [tilespmem:s5+$0x80];
	v28 =	vpop (erf);
	v22 =	vadd.f32 v25, v22  }
0x97: {  	s6 =	sadd.s32 $0x30, s1;
	v27 =	vand.u32 $0x380, v40;
	v24 =	vadd.f32 v24, v29;
	(erf) = vrcp.f32 v57;
	v25 =	vld [tilespmem:s5+$0x100];
	v29 =	vpop (erf)  }
0x98: {  	s7 =	sor.u32 $0x200, s6;
	(erf) = vpow2.f32 v13;
	v13 =	vld [tilespmem:s5+$0x180];
	v16 =	vadd.f32 v30, v16;
	v29 =	vadd.f32 v29, v28  }
0x99: {  	s29 =	simm.s32 $0x80;
	s9 =	sor.u32 $0x280, s6;
	(erf) = vpow2.f32 v15;
	v28 =	vor.u32 v27, v17;
	v17 =	vpop (erf);
	v15 =	vadd.f32 v24, v22;
	v24 =	vld [tilespmem:s7+$0x0]  }
0x9a: {  	s1 =	sadd.s32 $0x10, s1;
	s11 =	sor.u32 $0x380, s6;
	s10 =	sor.u32 $0x300, s6;
	v30 =	vld [tilespmem:s9+$0x0];
	(erf) = vpow2.f32 v12;
	v12 =	vmul.f32 $1.442695020e+00, v31;
	v22 =	vpop (erf);
	v16 =	vadd.f32 v29, v16  }
0x9b: {  	s18 =	sor.u32 $0x300, s1;
	s8 =	rddreg [dreg:$0x4];
	s14 =	sor.u32 $0x200, s1;
	v11 =	vmul.f32 $1.442695020e+00, v11;
	(erf) = vrcp.f32 v15;
	v15 =	vld [tilespmem:s10+$0x0];
	v22 =	vadd.f32 v22, v17  }
0x9c: {  	s17 =	sor.u32 $0x280, s1;
	s1 =	sor.u32 $0x380, s1;
	s30 =	sand.u32 $0x780, s29;
	v17 =	vpop (erf);
	(erf) = vpow2.f32 v12;
	v27 =	vadd.f32 v23, v16;
	v16 =	vmul.f32 $1.442695020e+00, v25;
	v23 =	vld [tilespmem:s11+$0x0]  }
0x9d: {  	s25 =	simm.s32 $0x4;
	v45 =	vld [tilespmem:s1+$0x0];
	s28 =	sadd.s32 s30, s8;
	v12 =	vmul.f32 $1.442695020e+00, v13;
	v29 =	vpop (erf);
	(erf) = vpow2.f32 v11  }
0x9e: {  	s13 =	sand.u32 $0x3, s25;
	s0 =	sadd.s32 s31, s28;
	v25 =	vadd.f32 v29, v17;
	v17 =	vmul.f32 $1.442695020e+00, v24;
	v24 =	vld [tilespmem:s14+$0x0];
	(erf) = vpow2.f32 v16  }
0x9f: {  	s3 =	sshll.u32 s13, $0x5;
	v30 =	vmul.f32 $1.442695020e+00, v30;
	v29 =	vld [tilespmem:s0+$0x0];
	v13 =	vpop (erf);
	(erf) = vpow2.f32 v12  }
0xa0: {  	s3 =	sadd.s32 $0x400, s3;
	v16 =	vor.u32 s23, v1;
	v11 =	vpop (erf);
	v15 =	vmul.f32 $1.442695020e+00, v15;
	(erf) = vpow2.f32 v17  }
0xa1: {  	v43 =	vmov s23;
	s6 =	simm.s32 $0xA0;
	v42 =	vld [tilespmem:s17+$0x0];
	s3 =	sadd.s32 $0x20, s3;
	v12 =	vpop (erf);
	v23 =	vmul.f32 $1.442695020e+00, v23;
	(erf) = vpow2.f32 v30  }
0xa2: {  	v44 =	vld [tilespmem:s18+$0x0];
	v39 =	vmov s6;
	v33 =	vshll.u32 v43, $0x3;
	s31 =	sor.u32 $0x280, s3;
	v17 =	vpop (erf);
	(erf) = vpow2.f32 v15  }
0xa3: {  	s19 =	sor.u32 $0x200, s3;
	v30 =	vand.u32 $0x7F, v16;
	v16 =	vpop (erf);
	v24 =	vmul.f32 $1.442695020e+00, v24;
	(erf) = vpow2.f32 v23;
	v23 =	vld [tilespmem:s31+$0x0]  }
0xa4: {  	p0 =	por !p0, !p0;
	v35 =	vmul.f32 $1.442695020e+00, v45;
	v33 =	vand.u32 $0x3C00, v33;
	v46 =	vld [tilespmem:s19+$0x0];
	s0 =	simm.s32 $0x1;
	v47 =	vshll.u32 v29, $0xB  }
0xa5: {  	s0 =	simm.s32 @!p0 $0x0;
	v30 =	vor.u32 v33, v30;
	v49 =	vshll.u32 v29, $0x7;
	v15 =	vpop (erf);
	v48 =	vand.u32 $0xFFFFC000, v47  }
0xa6: {  	v32 =	vmul.f32 $1.442695020e+00, v42;
	s8 =	sor.u32 $0x380, s3;
	s4 =	sshll.u32 s0, $0x6;
	v37 =	vand.u32 $0x380, v49;
	v30 =	vor.u32 v48, v30;
	v50 =	vpop (erf)  }
0xa7: {  	v34 =	vmul.f32 $1.442695020e+00, v44;
	v40 =	vld [tilespmem:s8+$0x0];
	s5 =	sor.u32 $0x300, s3;
	s7 =	sadd.s32 $0x400, s4;
	(erf) = vpow2.f32 v24;
	v30 =	vor.u32 v37, v30;
	v24 =	vpop (erf)  }
0xa8: {  	v39 =	vshll.u32 v39, $0x3;
	s30 =	simm.s32 $0x90;
	v51 =	vld [tilespmem:s5+$0x0];
	s9 =	sor.u32 $0x200, s7;
	(erf) = vpow2.f32 v32;
	v52 =	vpop (erf);
	v23 =	vmul.f32 $1.442695020e+00, v23  }
0xa9: {  	v38 =	vor.u32 s30, v1;
	v36 =	vmul.f32 $1.442695020e+00, v46;
	s14 =	sand.u32 $0x40, s29;
	s10 =	sor.u32 $0x280, s7;
	v41 =	vld [tilespmem:s9+$0x0];
	(erf) = vpow2.f32 v34;
	v53 =	vpop (erf)  }
0xaa: {  	v43 =	vmov s29;
	v38 =	vand.u32 $0x5F, v38;
	s18 =	sor.u32 s14, s26;
	v44 =	vld [tilespmem:s10+$0x0];
	(erf) = vpow2.f32 v35;
	v54 =	vpop (erf)  }
0xab: {  	v57 =	vor.u32 s29, v1;
	v31 =	vmov s30;
	v60 =	vld [tilespmem:s18+$0x0];
	(erf) = vpow2.f32 v36;
	v55 =	vpop (erf)  }
0xac: {  	v40 =	vmul.f32 $1.442695020e+00, v40;
	v31 =	vshll.u32 v31, $0x3;
	s13 =	sor.u32 $0x300, s7;
	v30 =	vld.idx.msk [tilespmem:v30+s2+$0x0], $0xffff;
	(erf) = vpow2.f32 v23;
	v23 =	vpop (erf)  }
0xad: {  	v31 =	vand.u32 $0x3C00, v31;
	s17 =	sor.u32 $0x380, s7;
	v56 =	vld [tilespmem:s13+$0x0];
	v24 =	vadd.f32 v24, v50;
	v32 =	vadd.f32 v53, v52;
	v58 =	vpop (erf)  }
0xae: {  	v59 =	vld [tilespmem:s17+$0x0];
	v37 =	vmul.f32 $1.442695020e+00, v51;
	v35 =	vadd.f32 v55, v54;
	v23 =	vadd.f32 v58, v23  }
0xaf: {  	v38 =	vor.u32 v31, v38;
	v61 =	vld [tilespmem:s18+$0x80];
	v41 =	vmul.f32 $1.442695020e+00, v41;
	v48 =	vmul.f32 $1.442695020e+00, v44  }
0xb0: {  	s19 =	sand.u32 $0x50, s30;
	v63 =	vld [tilespmem:s18+$0x100];
	(erf) = vpow2.f32 v37;
	v24 =	vadd.f32 v32, v24;
	v23 =	vadd.f32 v23, v35  }
0xb1: {  	s29 =	sor.u32 s19, s26;
	v31 =	vld [tilespmem:s18+$0x180];
	v22 =	vadd.f32 v25, v22;
	(erf) = vpow2.f32 v40;
	v30 =	vmul.f32 $1.442695020e+00, v30  }
0xb2: {  	s0 =	sand.u32 $0x60, s6;
	v25 =	vmul.f32 $1.442695020e+00, v56;
	v52 =	vld [tilespmem:s29+$0x100];
	(erf) = vpow2.f32 v41;
	v23 =	vadd.f32 v23, v24  }
0xb3: {  	v42 =	vor.u32 s6, v1;
	s30 =	sor.u32 s0, s26;
	v50 =	vmul.f32 $1.442695020e+00, v59;
	v53 =	vld [tilespmem:s29+$0x180];
	(erf) = vpow2.f32 v30  }
0xb4: {  	v62 =	vand.u32 $0x3C00, v39;
	v45 =	vld [tilespmem:s30+$0x80];
	v37 =	vmul.f32 $1.442695020e+00, v60;
	(erf) = vrcp.f32 v23  }
0xb5: {  	v49 =	vld [tilespmem:s29+$0x0];
	v54 =	vshll.u32 v43, $0x3;
	v32 =	vmul.f32 $1.442695020e+00, v61;
	v51 =	vpop (erf);
	(erf) = vpow2.f32 v48  }
0xb6: {  	v55 =	vpop (erf);
	v30 =	vld [tilespmem:s29+$0x80];
	v23 =	vand.u32 $0x4F, v57;
	(erf) = vpow2.f32 v25;
	v25 =	vand.u32 $0x3C00, v54  }
0xb7: {  	v59 =	vld [tilespmem:s30+$0x100];
	v36 =	vmul.f32 $1.442695020e+00, v52;
	v33 =	vor.u32 v25, v23;
	v23 =	vmul.f32 $1.442695020e+00, v63  }
0xb8: {  	v40 =	vmul.f32 $1.442695020e+00, v53;
	v56 =	vpop (erf);
	v24 =	vand.u32 $0x6F, v42;
	v57 =	vld [tilespmem:s30+$0x0];
	(erf) = vpow2.f32 v50  }
0xb9: {  	s1 =	sadd.s32 s14, s28;
	v60 =	vld [tilespmem:s30+$0x180];
	v58 =	vpop (erf);
	v35 =	vor.u32 v62, v24;
	v24 =	vmul.f32 $1.442695020e+00, v31;
	(erf) = vpow2.f32 v37  }
0xba: {  	v31 =	vpop (erf);
	v48 =	vmul.f32 $1.442695020e+00, v45;
	v25 =	vadd.f32 v19, v22;
	v22 =	vld [tilespmem:s1+$0x0];
	(erf) = vpow2.f32 v32  }
0xbb: {  	v30 =	vmul.f32 $1.442695020e+00, v30;
	(erf) = vpow2.f32 v23;
	v23 =	vpop (erf)  }
0xbc: {  	s31 =	sadd.s32 s19, s28;
	v34 =	vadd.f32 v55, v51;
	v19 =	vmul.f32 $1.442695020e+00, v49;
	v50 =	vmul.f32 $1.442695020e+00, v59;
	v61 =	vpop (erf)  }
0xbd: {  	v63 =	vmul.f32 $1.442695020e+00, v57;
	(erf) = vpow2.f32 v24;
	v24 =	vld [tilespmem:s31+$0x0];
	v62 =	vadd.f32 v23, v31;
	v31 =	vpop (erf)  }
0xbe: {  	s0 =	sadd.s32 s0, s28;
	v39 =	vadd.f32 v58, v56;
	v32 =	vmul.f32 $1.442695020e+00, v60;
	v57 =	vld.idx.msk [tilespmem:v21+s2+$0x0], $0xffff;
	(erf) = vpow2.f32 v19;
	v49 =	vpop (erf)  }
0xbf: {  	v23 =	vld [tilespmem:s0+$0x0];
	v52 =	vshll.u32 v22, $0xB;
	v54 =	vshll.u32 v22, $0x7;
	(erf) = vpow2.f32 v30;
	v30 =	vpop (erf)  }
0xc0: {  	[tilespmem:v10+s15+$0x0] =	vst.idx.add.f32.msk $0xffff, v14;
	v19 =	vadd.f32 v31, v61;
	(erf) = vpow2.f32 v36;
	v36 =	vand.u32 $0xFFFFC000, v52;
	v51 =	vpop (erf)  }
0xc1: {  	v31 =	vadd.f32 v39, v34;
	v61 =	vld.idx.msk [tilespmem:v28+s2+$0x0], $0xffff;
	v28 =	vand.u32 $0x380, v54;
	v33 =	vor.u32 v36, v33;
	v53 =	vpop (erf)  }
0xc2: {  	[tilespmem:v10+s16+$0x0] =	vst.idx.add.f32.msk $0xffff, v2;
	v19 =	vadd.f32 v19, v62;
	(erf) = vpow2.f32 v40;
	v55 =	vshll.u32 v24, $0xB;
	v14 =	vpop (erf)  }
0xc3: {  	v59 =	vld.idx.msk [tilespmem:v26+s2+$0x0], $0xffff;
	v26 =	vshll.u32 v24, $0x7;
	v28 =	vor.u32 v28, v33;
	v33 =	vmul.f32 $1.442695020e+00, v57;
	v10 =	vpop (erf)  }
0xc4: {  	v30 =	vmul.f32 v51, v30;
	(erf) = vpow2.f32 v63;
	v56 =	vshll.u32 v23, $0xB;
	v58 =	vpop (erf)  }
0xc5: {  	[tilespmem:v18+s15+$0x0] =	vst.idx.add.f32.msk $0xffff, v20;
	v40 =	vand.u32 $0xFFFFC000, v55;
	v20 =	vand.u32 $0x380, v26;
	(erf) = vpow2.f32 v48;
	v60 =	vpop (erf)  }
0xc6: {  	v21 =	vand.u32 $0xFFFFC000, v56;
	v38 =	vor.u32 v40, v38;
	v37 =	vadd.f32 v53, v49;
	v62 =	vpop (erf)  }
0xc7: {  	v35 =	vor.u32 v21, v35;
	v21 =	vshll.u32 v23, $0x7;
	v14 =	vadd.f32 v10, v14;
	v63 =	vpop (erf)  }
0xc8: {  	[tilespmem:v18+s16+$0x0] =	vst.idx.add.f32.msk $0xffff, v2;
	(erf) = vpow2.f32 v50;
	v26 =	vand.u32 $0x380, v21;
	v21 =	vor.u32 v20, v38;
	v20 =	vpop (erf)  }
0xc9: {  	[tilespmem:v29+s15+$0x0] =	vst.idx.add.f32.msk $0xffff, v30;
	v30 =	vmul.f32 $1.442695020e+00, v59;
	(erf) = vpow2.f32 v32;
	v26 =	vor.u32 v26, v35;
	v18 =	vpop (erf)  }
0xca: {  	[tilespmem:v29+s16+$0x0] =	vst.idx.add.f32.msk $0xffff, v2;
	v32 =	vmul.f32 $1.442695020e+00, v61;
	v35 =	vadd.f32 v60, v58;
	v29 =	vadd.f32 v14, v37;
	v36 =	vpop (erf)  }
0xcb: {  	p0 =	por !p0, !p0;
	s26 =	simm.s32 $0x8;
	(erf) = vrcp.f32 v27;
	v10 =	vadd.f32 v63, v62;
	v34 =	vadd.f32 v18, v20;
	v14 =	vpop (erf)  }
.LBB2_3:
0xcc: {  	_ = 	snop  }
0xcd: {  	v18 =	vadd.f32 v14, v36;
	v14 =	vld.idx.msk [tilespmem:v21+s2+$0x0], $0xffff  }
0xce: {  	v13 =	vmul.f32 v13, v17;
	v21 =	vmov v5;
	s22 =	sadd.s32 $0x200, s22;
	s23 =	sadd.s32 $0x40, s23;
	s24 =	sadd.s32 $0x4, s24;
	v20 =	vadd.f32 v10, v35;
	v10 =	vld.idx.msk [tilespmem:v28+s2+$0x0], $0xffff  }
0xcf: {  	v5 =	vmov v7;
	s28 =	sand.u32 $0x3C00, s22;
	s18 =	sand.u32 $0x70, s23;
	s11 =	sand.u32 $0x7, s24;
	v58 =	vadd.f32 v18, v34;
	v18 =	vld.idx.msk [tilespmem:v26+s2+$0x0], $0xffff;
	v27 =	vpop (erf);
	(erf) = vrcp.f32 v25  }
0xd0: {  	v7 =	vmov v22;
	v50 =	vor.u32 s23, v1;
	[tilespmem:v4+s15+$0x0] =	vst.idx.add.f32.msk $0xffff, v13;
	s30 =	sor.u32 s18, s28;
	s11 =	sshll.u32 s11, $0x4;
	v25 =	vpop (erf);
	(erf) = vpow2.f32 v33  }
0xd1: {  	s29 =	sadd.s32 $0xFFFFFFE0, s23;
	v41 =	vmov s23;
	s5 =	sadd.s32 s22, s11;
	v22 =	vld [tilespmem:s30+$0x80];
	v17 =	vadd.f32 v25, v27;
	v25 =	vpop (erf);
	(erf) = vpow2.f32 v30  }
0xd2: {  	v59 =	vmov s29;
	v28 =	vadd.f32 v29, v20;
	v60 =	vld [tilespmem:s30+$0x180];
	s6 =	sadd.s32 $0x10, s5;
	s5 =	sadd.s32 $0x30, s5;
	v26 =	vpop (erf);
	(erf) = vpow2.f32 v32  }
0xd3: {  	s10 =	sadd.s32 $0xFFFFFFD0, s23;
	v27 =	vmul.f32 v11, v16;
	s8 =	sor.u32 $0x280, s5;
	v11 =	vadd.f32 v26, v25;
	v26 =	vmul.f32 v6, v12;
	v12 =	vld [tilespmem:s30+$0x0]  }
0xd4: {  	s25 =	sadd.s32 $0x2, s25;
	v40 =	vmov s10;
	v37 =	vor.u32 s10, v1;
	v29 =	vmovc v3;
	v62 =	vld [tilespmem:s8+$0x0];
	(erf) = vrcp.f32 v28  }
0xd5: {  	s1 =	sand.u32 $0x3, s25;
	s31 =	sadd.s32 $0xFFFFFFF0, s23;
	v3 =	vmovc v9;
	v9 =	vmovc v23;
	s13 =	sor.u32 $0x300, s5;
	v6 =	vmov v15;
	v15 =	vor.u32 s29, v1;
	v28 =	vshll.u32 v59, $0x3;
	v25 =	vld [tilespmem:s30+$0x100]  }
0xd6: {  	s3 =	sshll.u32 s1, $0x5;
	v30 =	vmovc v8;
	v8 =	vmovc v24;
	v16 =	vmov s31;
	s7 =	sor.u32 $0x200, s5;
	v48 =	vld [tilespmem:s13+$0x0];
	v15 =	vand.u32 $0x5F, v15;
	v23 =	vand.u32 $0x3C00, v28  }
0xd7: {  	s3 =	sadd.s32 s22, s3;
	v24 =	vor.u32 s31, v1;
	s5 =	sor.u32 $0x380, s5;
	v16 =	vshll.u32 v16, $0x3;
	v13 =	vpop (erf);
	v28 =	vor.u32 v23, v15;
	v15 =	vld [tilespmem:s7+$0x0]  }
0xd8: {  	s19 =	sadd.s32 $0x20, s3;
	s3 =	sor.u32 $0x380, s6;
	v38 =	vld [tilespmem:s5+$0x0];
	v23 =	vand.u32 $0x6F, v24;
	v24 =	vadd.f32 v11, v17;
	v11 =	vpop (erf);
	v61 =	vmul.f32 $1.442695020e+00, v12  }
0xd9: {  	s9 =	rddreg [dreg:$0x4];
	v41 =	vshll.u32 v41, $0x3;
	v63 =	vand.u32 $0x4F, v37;
	s11 =	sor.u32 $0x380, s19;
	v53 =	vld [tilespmem:s3+$0x0];
	v22 =	vmul.f32 $1.442695020e+00, v22;
	s7 =	sand.u32 $0x780, s10;
	v12 =	vpop (erf)  }
0xda: {  	v20 =	vadd.f32 v31, v58;
	s13 =	sor.u32 $0x200, s19;
	v43 =	vld [tilespmem:s11+$0x0];
	s7 =	sadd.s32 s7, s9;
	v25 =	vmul.f32 $1.442695020e+00, v25;
	v17 =	vpop (erf);
	(erf) = vpow2.f32 v61  }
0xdb: {  	v31 =	vand.u32 $0x3C00, v16;
	v54 =	vld [tilespmem:s13+$0x0];
	v33 =	vmul.f32 $1.442695020e+00, v60;
	s1 =	sadd.s32 s18, s7;
	v16 =	vpop (erf);
	(erf) = vpow2.f32 v22  }
0xdc: {  	v39 =	vshll.u32 v40, $0x3;
	s14 =	sor.u32 $0x200, s6;
	v32 =	vld [tilespmem:s1+$0x0];
	v51 =	vmul.f32 $1.442695020e+00, v15;
	(erf) = vpow2.f32 v25  }
0xdd: {  	v41 =	vand.u32 $0x3C00, v41;
	s17 =	sor.u32 $0x280, s6;
	v34 =	vmul.f32 $1.442695020e+00, v62;
	v22 =	vld [tilespmem:s14+$0x0];
	v15 =	vpop (erf);
	(erf) = vpow2.f32 v33  }
0xde: {  	s0 =	simm.s32 $0x1;
	v49 =	vand.u32 $0x3C00, v39;
	s9 =	sand.u32 $0x60, s31;
	s31 =	sor.u32 $0x300, s6;
	v36 =	vmul.f32 $1.442695020e+00, v48;
	v25 =	vld [tilespmem:s17+$0x0];
	(erf) = vpow2.f32 v51  }
0xdf: {  	s0 =	simm.s32 @!p0 $0x0;
	s4 =	sand.u32 $0x40, s10;
	v39 =	vand.u32 $0x7F, v50;
	s10 =	sor.u32 $0x280, s19;
	v52 =	vld [tilespmem:s31+$0x0];
	v38 =	vmul.f32 $1.442695020e+00, v38;
	(erf) = vpow2.f32 v34  }
0xe0: {  	s0 =	sshll.u32 s0, $0x6;
	v39 =	vor.u32 v41, v39;
	v55 =	vld [tilespmem:s10+$0x0];
	s18 =	sor.u32 $0x300, s19;
	v60 =	vmul.f32 $1.442695020e+00, v53;
	(erf) = vpow2.f32 v36  }
0xe1: {  	s0 =	sadd.s32 s0, s22;
	s1 =	sor.u32 s4, s28;
	v57 =	vld [tilespmem:s18+$0x0];
	v62 =	vmul.f32 $1.442695020e+00, v54;
	v42 =	vshll.u32 v32, $0xB;
	(erf) = vpow2.f32 v38  }
0xe2: {  	s8 =	sor.u32 $0x280, s0;
	v54 =	vld [tilespmem:s1+$0x80];
	v47 =	vshll.u32 v32, $0x7;
	v56 =	vand.u32 $0xFFFFC000, v42;
	v45 =	vmul.f32 $1.442695020e+00, v22  }
0xe3: {  	s19 =	sor.u32 $0x200, s0;
	v61 =	vld [tilespmem:s8+$0x0];
	v44 =	vand.u32 $0x380, v47;
	v39 =	vor.u32 v56, v39;
	v25 =	vmul.f32 $1.442695020e+00, v25;
	v58 =	vpop (erf)  }
0xe4: {  	s6 =	sor.u32 $0x300, s0;
	v59 =	vld [tilespmem:s19+$0x0];
	v46 =	vmul.f32 $1.442695020e+00, v52;
	v39 =	vor.u32 v44, v39;
	(erf) = vpow2.f32 v45;
	v22 =	vpop (erf)  }
0xe5: {  	v50 =	vmul.f32 $1.442695020e+00, v43;
	v34 =	vor.u32 v31, v23;
	v31 =	vld [tilespmem:s6+$0x0];
	(erf) = vpow2.f32 v25;
	v23 =	vpop (erf)  }
0xe6: {  	s14 =	sor.u32 $0x380, s0;
	v48 =	vmul.f32 $1.442695020e+00, v55;
	v33 =	vor.u32 v49, v63;
	v56 =	vld [tilespmem:s1+$0x100];
	(erf) = vpow2.f32 v46;
	v63 =	vpop (erf)  }
0xe7: {  	v43 =	vmul.f32 $1.442695020e+00, v54;
	v25 =	vadd.f32 v19, v24;
	v19 =	vld [tilespmem:s14+$0x0];
	(erf) = vpow2.f32 v60;
	v49 =	vpop (erf)  }
0xe8: {  	v37 =	vmul.f32 $1.442695020e+00, v61;
	(erf) = vpow2.f32 v62;
	v51 =	vpop (erf)  }
0xe9: {  	s29 =	sand.u32 $0x50, s29;
	v44 =	vmul.f32 $1.442695020e+00, v59;
	v24 =	vmul.f32 $1.442695020e+00, v57;
	v39 =	vld.idx.msk [tilespmem:v39+s2+$0x0], $0xffff;
	v53 =	vpop (erf)  }
0xea: {  	s0 =	sor.u32 s29, s28;
	v22 =	vadd.f32 v22, v58;
	v58 =	vld [tilespmem:s1+$0x180];
	v23 =	vadd.f32 v63, v23;
	(erf) = vpow2.f32 v48;
	v55 =	vpop (erf)  }
0xeb: {  	v31 =	vmul.f32 $1.442695020e+00, v31;
	v62 =	vld [tilespmem:s0+$0x100];
	v57 =	vadd.f32 v51, v49;
	v36 =	vadd.f32 v55, v53  }
0xec: {  	v52 =	vld [tilespmem:s1+$0x0];
	v42 =	vmul.f32 $1.442695020e+00, v56;
	v19 =	vmul.f32 $1.442695020e+00, v19  }
0xed: {  	v60 =	vld [tilespmem:s0+$0x80];
	v22 =	vadd.f32 v23, v22;
	(erf) = vpow2.f32 v24;
	v59 =	vpop (erf);
	v46 =	vadd.f32 v36, v57  }
0xee: {  	s31 =	sor.u32 s9, s28;
	v24 =	vld [tilespmem:s0+$0x0];
	v39 =	vmul.f32 $1.442695020e+00, v39;
	(erf) = vpow2.f32 v50;
	v61 =	vpop (erf)  }
0xef: {  	v54 =	vmul.f32 $1.442695020e+00, v58;
	v58 =	vld [tilespmem:s31+$0x80];
	(erf) = vpow2.f32 v44;
	v23 =	vpop (erf);
	v63 =	vadd.f32 v46, v22  }
0xf0: {  	v55 =	vld [tilespmem:s31+$0x0];
	v45 =	vmul.f32 $1.442695020e+00, v62;
	v53 =	vpop (erf);
	(erf) = vpow2.f32 v39  }
0xf1: {  	v36 =	vmul.f32 $1.442695020e+00, v52;
	v52 =	vld [tilespmem:s0+$0x180];
	v56 =	vpop (erf);
	(erf) = vrcp.f32 v63  }
0xf2: {  	v35 =	vadd.f32 v61, v59;
	v59 =	vmul.f32 $1.442695020e+00, v60;
	v60 =	vld [tilespmem:s31+$0x100];
	(erf) = vpow2.f32 v37  }
0xf3: {  	s29 =	sadd.s32 s29, s7;
	v61 =	vld [tilespmem:s31+$0x180];
	v57 =	vmul.f32 $1.442695020e+00, v24;
	v22 =	vpop (erf);
	(erf) = vpow2.f32 v31  }
0xf4: {  	v24 =	vld [tilespmem:s29+$0x0];
	v48 =	vmul.f32 $1.442695020e+00, v58;
	(erf) = vpow2.f32 v19  }
0xf5: {  	s5 =	sadd.s32 s4, s7;
	v23 =	vadd.f32 v53, v23;
	v62 =	vmul.f32 $1.442695020e+00, v55;
	(erf) = vpow2.f32 v36  }
0xf6: {  	v41 =	vadd.f32 v22, v56;
	v22 =	vld [tilespmem:s5+$0x0];
	v44 =	vmul.f32 $1.442695020e+00, v52;
	v19 =	vpop (erf);
	(erf) = vpow2.f32 v43  }
0xf7: {  	s17 =	sadd.s32 s9, s7;
	[tilespmem:v4+s16+$0x0] =	vst.idx.add.f32.msk $0xffff, v2;
	v4 =	vmov v30;
	v38 =	vmul.f32 $1.442695020e+00, v60;
	v63 =	vpop (erf);
	(erf) = vpow2.f32 v42  }
0xf8: {  	v31 =	vadd.f32 v23, v35;
	v23 =	vld [tilespmem:s17+$0x0];
	v30 =	vmul.f32 $1.442695020e+00, v61;
	v49 =	vpop (erf);
	(erf) = vpow2.f32 v54  }
0xf9: {  	[tilespmem:v21+s15+$0x0] =	vst.idx.add.f32.msk $0xffff, v26;
	v53 =	vshll.u32 v24, $0xB;
	v56 =	vshll.u32 v24, $0x7;
	v50 =	vpop (erf);
	(erf) = vpow2.f32 v57  }
0xfa: {  	[tilespmem:v21+s16+$0x0] =	vst.idx.add.f32.msk $0xffff, v2;
	v21 =	vand.u32 $0xFFFFC000, v53;
	v19 =	vadd.f32 v63, v19;
	(erf) = vpow2.f32 v59;
	v52 =	vpop (erf)  }
0xfb: {  	[tilespmem:v29+s15+$0x0] =	vst.idx.add.f32.msk $0xffff, v27;
	v21 =	vor.u32 v21, v28;
	v27 =	vshll.u32 v22, $0xB;
	v54 =	vpop (erf);
	(erf) = vpow2.f32 v45  }
0xfc: {  	v51 =	vshll.u32 v22, $0x7;
	v19 =	vadd.f32 v19, v41;
	v55 =	vpop (erf);
	(erf) = vpow2.f32 v44  }
0xfd: {  	[tilespmem:v29+s16+$0x0] =	vst.idx.add.f32.msk $0xffff, v2;
	v26 =	vand.u32 $0xFFFFC000, v27;
	v27 =	vshll.u32 v23, $0xB;
	v28 =	vand.u32 $0x380, v51;
	v29 =	vpop (erf)  }
0xfe: {  	v27 =	vand.u32 $0xFFFFC000, v27;
	v57 =	vshll.u32 v23, $0x7;
	v26 =	vor.u32 v26, v33;
	v58 =	vpop (erf)  }
0xff: {  	s26 =	sadd.s32 $0x4, s26;
	v33 =	vmul.f32 $1.442695020e+00, v10;
	v60 =	vor.u32 v27, v34;
	v28 =	vor.u32 v28, v26;
	v59 =	vpop (erf)  }
0x100: {  	p1 =	slt.u32 s26, $0x7C;
	v26 =	vand.u32 $0x380, v56;
	v35 =	vmul.f32 v52, v50;
	(erf) = vpow2.f32 v62;
	v61 =	vpop (erf)  }
.Ltmp2:
0x101: {  	v21 =	vor.u32 v26, v21;
	v37 =	vadd.f32 v54, v49;
	(erf) = vpow2.f32 v48;
	v63 =	vpop (erf);
	(pc) =	sbr.rel @p1 .LBB2_3-.Ltmp2, $4  }
0x102: {  	v62 =	vand.u32 $0x380, v57;
	v29 =	vadd.f32 v29, v55;
	(erf) = vpow2.f32 v38;
	v27 =	vpop (erf)  }
0x103: {  	[tilespmem:v32+s15+$0x0] =	vst.idx.add.f32.msk $0xffff, v35;
	v26 =	vor.u32 v62, v60;
	(erf) = vpow2.f32 v30;
	v35 =	vadd.f32 v59, v58;
	v30 =	vpop (erf)  }
0x104: {  	[tilespmem:v32+s16+$0x0] =	vst.idx.add.f32.msk $0xffff, v2;
	v32 =	vmul.f32 $1.442695020e+00, v18;
	v29 =	vadd.f32 v29, v37;
	v10 =	vadd.f32 v63, v61;
	v36 =	vpop (erf)  }
0x105: {  	p0 =	por !p0, !p0;
	v34 =	vadd.f32 v30, v27;
	v30 =	vmul.f32 $1.442695020e+00, v14;
	v14 =	vpop (erf);
	(erf) = vrcp.f32 v20  }
0x106: {  	_ =	sdelay $0x2  }
0x107: {  	v18 =	vpop (erf)  }
0x108: {  	v14 =	vadd.f32 v14, v36;
	v20 =	vpop (erf)  }
0x109: {  	v27 =	vpop (erf)  }
0x10a: {  	v10 =	vadd.f32 v10, v35;
	v21 =	vld.idx.msk [tilespmem:v21+s2+$0x0], $0xffff;
	v14 =	vadd.f32 v14, v34;
	(erf) = vrcp.f32 v25;
	v42 =	vpop (erf)  }
0x10b: {  	v28 =	vld.idx.msk [tilespmem:v28+s2+$0x0], $0xffff;
	v18 =	vadd.f32 v20, v18;
	(erf) = vpow2.f32 v33;
	v20 =	vadd.f32 v42, v27  }
0x10c: {  	v10 =	vadd.f32 v29, v10;
	(erf) = vpow2.f32 v30  }
0x10d: {  	v14 =	vadd.f32 v31, v14;
	(erf) = vpow2.f32 v32;
	v18 =	vadd.f32 v20, v18  }
0x10e: {  	(erf) = vrcp.f32 v10  }
0x10f: {  	v20 =	vld.idx.msk [tilespmem:v26+s2+$0x0], $0xffff;
	(erf) = vrcp.f32 v14;
	v14 =	vmul.f32 $1.442695020e+00, v21;
	v10 =	vadd.f32 v19, v18  }
0x110: {  	v13 =	vmul.f32 v13, v17;
	v17 =	vmul.f32 $1.442695020e+00, v28  }
0x111: {  	(erf) = vrcp.f32 v10;
	v10 =	vmul.f32 v11, v16  }
0x112: {  	v11 =	vpop (erf);
	(erf) = vpow2.f32 v17  }
0x113: {  	[tilespmem:v4+s15+$0x0] =	vst.idx.add.f32.msk $0xffff, v13;
	(erf) = vpow2.f32 v14;
	v14 =	vpop (erf)  }
0x114: {  	[tilespmem:v4+s16+$0x0] =	vst.idx.add.f32.msk $0xffff, v2;
	v4 =	vmul.f32 v6, v12;
	v13 =	vmul.f32 $1.442695020e+00, v20;
	v6 =	vpop (erf)  }
0x115: {  	[tilespmem:v3+s15+$0x0] =	vst.idx.add.f32.msk $0xffff, v10;
	v10 =	vpop (erf)  }
0x116: {  	[tilespmem:v5+s15+$0x0] =	vst.idx.add.f32.msk $0xffff, v4;
	(erf) = vpow2.f32 v13;
	v4 =	vmul.f32 v11, v10;
	_ =	sdelay $0x1  }
0x117: {  	[tilespmem:v3+s16+$0x0] =	vst.idx.add.f32.msk $0xffff, v2;
	v3 =	vpop (erf)  }
0x118: {  	[tilespmem:v5+s16+$0x0] =	vst.idx.add.f32.msk $0xffff, v2;
	v6 =	vmul.f32 v15, v6;
	v10 =	vpop (erf);
	v3 =	vmul.f32 v14, v3  }
0x119: {  	[tilespmem:v8+s15+$0x0] =	vst.idx.add.f32.msk $0xffff, v4;
	v4 =	vpop (erf)  }
0x11a: {  	[tilespmem:v7+s15+$0x0] =	vst.idx.add.f32.msk $0xffff, v6;
	v5 =	vpop (erf)  }
0x11b: {  	[tilespmem:v8+s16+$0x0] =	vst.idx.add.f32.msk $0xffff, v2;
	v8 =	vpop (erf)  }
0x11c: {  	[tilespmem:v9+s15+$0x0] =	vst.idx.add.f32.msk $0xffff, v3;
	v3 =	vpop (erf)  }
0x11d: {  	[tilespmem:v7+s16+$0x0] =	vst.idx.add.f32.msk $0xffff, v2;
	v3 =	vmul.f32 v4, v3  }
0x11e: {  	[tilespmem:v9+s16+$0x0] =	vst.idx.add.f32.msk $0xffff, v2;
	v4 =	vpop (erf)  }
0x11f: {  	[tilespmem:v24+s15+$0x0] =	vst.idx.add.f32.msk $0xffff, v3;
	v3 =	vmul.f32 v5, v4  }
0x120: {  	v4 =	vmul.f32 v10, v8;
	[tilespmem:v24+s16+$0x0] =	vst.idx.add.f32.msk $0xffff, v2  }
0x121: {  	[tilespmem:v23+s15+$0x0] =	vst.idx.add.f32.msk $0xffff, v3  }
0x122: {  	[tilespmem:v22+s15+$0x0] =	vst.idx.add.f32.msk $0xffff, v4  }
0x123: {  	[tilespmem:v23+s16+$0x0] =	vst.idx.add.f32.msk $0xffff, v2  }
0x124: {  	p0 =	seq.s32 s20, $0x7;
	s18 =	simm.s32 $0x2;
	[tilespmem:v22+s16+$0x0] =	vst.idx.add.f32.msk $0xffff, v2  }
0x125: {  	s19 =	simm.s32 $0x0;
	s25 =	simm.s32 $0x30;
	s0 =	rddreg [dreg:$0x9]  }
0x126: {  	s4 =	sadd.s32 $0x8800, s21;
	s1 =	simm.s32 @!p0 $0x0;
	s0 =	sadd.s32 @!p0 s21, s0  }
0x127: {  	[tilespmem:s1], [sflag:$0x1] =	stream.linear.gather @!p0 [hbm4b:s0+s1], $0x4000, $0x38;
	[tilespmem:$0x10100] =	vst v63  }
0x128: {  	s3 =	sand.u32 $0x3C00, s19;
	s26 =	sand.u32 $0x70, s25;
	_ =	swait.ge [sflag:s18], $0x4000  }
0x129: {  	s28 =	sand.u32 $0x7, s19;
	s23 =	sor.u32 $0x4000, s3;
	[sflag:s18] =	ssyncset.done $0x0  }
0x12a: {  	s5 =	sor.u32 s26, s23;
	[dreg:$0x5] =	wrdreg s4;
	[sflag:s18] =	ssyncadd.s32 $0xFFFFC000  }
0x12b: {  	s4 =	sshll.u32 s28, $0x4;
	v3 =	vld [tilespmem:s5+$0x0]  }
0x12c: {  	s4 =	sadd.s32 $0x0, s4;
	v4 =	vld [tilespmem:s5+$0x80]  }
0x12d: {  	s6 =	sadd.s32 $0x30, s4;
	v5 =	vld [tilespmem:s5+$0x100]  }
0x12e: {  	s24 =	simm.s32 $0x0;
	v6 =	vld [tilespmem:s5+$0x180];
	s29 =	sor.u32 $0x200, s6  }
0x12f: {  	s8 =	sand.u32 $0x780, s24;
	s31 =	sor.u32 $0x300, s6;
	v7 =	vld [tilespmem:s29+$0x4000]  }
0x130: {  	s7 =	rddreg [dreg:$0x5];
	s30 =	sor.u32 $0x280, s6;
	s6 =	sor.u32 $0x380, s6;
	v9 =	vld [tilespmem:s31+$0x4000]  }
0x131: {  	s22 =	sadd.s32 s8, s7;
	v10 =	vld [tilespmem:s6+$0x4000];
	v3 =	vmul.f32 $1.442695020e+00, v3  }
0x132: {  	s3 =	sadd.s32 s26, s22;
	v8 =	vld [tilespmem:s30+$0x4000];
	v4 =	vmul.f32 $1.442695020e+00, v4  }
0x133: {  	v11 =	vld [tilespmem:s3+$0x0];
	v5 =	vmul.f32 $1.442695020e+00, v5;
	(erf) = vpow2.f32 v3  }
0x134: {  	v3 =	vmul.f32 $1.442695020e+00, v6;
	(erf) = vpow2.f32 v4  }
0x135: {  	v4 =	vmul.f32 $1.442695020e+00, v7;
	v7 =	vmul.f32 $1.442695020e+00, v9  }
0x136: {  	s4 =	sadd.s32 $0x10, s4;
	v9 =	vmul.f32 $1.442695020e+00, v10;
	(erf) = vpow2.f32 v5  }
0x137: {  	s7 =	sor.u32 $0x200, s4;
	v5 =	vmul.f32 $1.442695020e+00, v8;
	(erf) = vpow2.f32 v3  }
0x138: {  	s0 =	sand.u32 $0x3, s19;
	s8 =	sor.u32 $0x280, s4;
	v6 =	vld [tilespmem:s7+$0x4000];
	v10 =	vshll.u32 v11, $0xB;
	(erf) = vpow2.f32 v4;
	v4 =	vmov s25  }
0x139: {  	s0 =	sshll.u32 s0, $0x5;
	v8 =	vld [tilespmem:s8+$0x4000];
	v3 =	vor.u32 s25, v1;
	(erf) = vpow2.f32 v5;
	v4 =	vshll.u32 v4, $0x3  }
0x13a: {  	s0 =	sadd.s32 $0x0, s0;
	s9 =	sor.u32 $0x300, s4;
	v3 =	vand.u32 $0x7F, v3;
	(erf) = vpow2.f32 v7;
	v4 =	vand.u32 $0x3C00, v4  }
0x13b: {  	s0 =	sadd.s32 $0x20, s0;
	s10 =	sor.u32 $0x380, s4;
	v5 =	vld [tilespmem:s9+$0x4000];
	(erf) = vpow2.f32 v9;
	v9 =	vand.u32 $0xFFFFC000, v10;
	v10 =	vshll.u32 v11, $0x7  }
0x13c: {  	s11 =	sor.u32 $0x200, s0;
	v7 =	vld [tilespmem:s10+$0x4000];
	v3 =	vor.u32 v4, v3;
	v10 =	vand.u32 $0x380, v10  }
0x13d: {  	p1 =	por $0x0, $0x0;
	s1 =	simm.s32 $0x1;
	s13 =	sor.u32 $0x280, s0;
	v4 =	vld [tilespmem:s11+$0x4000];
	v3 =	vor.u32 v9, v3  }
0x13e: {  	s1 =	simm.s32 @!p1 $0x0;
	s14 =	sor.u32 $0x300, s0;
	v12 =	vld [tilespmem:s13+$0x4000];
	v6 =	vmul.f32 $1.442695020e+00, v6;
	v8 =	vmul.f32 $1.442695020e+00, v8;
	v3 =	vor.u32 v10, v3;
	v9 =	vpop (erf)  }
0x13f: {  	s1 =	sshll.u32 s1, $0x6;
	s0 =	sor.u32 $0x380, s0;
	v13 =	vld [tilespmem:s14+$0x4000];
	v10 =	vpop (erf)  }
0x140: {  	s17 =	simm.s32 $0x10;
	s1 =	sadd.s32 $0x0, s1;
	v16 =	vld [tilespmem:s0+$0x4000];
	(erf) = vpow2.f32 v6;
	v5 =	vmul.f32 $1.442695020e+00, v5;
	v14 =	vpop (erf)  }
0x141: {  	v17 =	vor.u32 s17, v1;
	s18 =	sor.u32 $0x200, s1;
	(erf) = vpow2.f32 v8;
	v6 =	vmul.f32 $1.442695020e+00, v7;
	v7 =	vpop (erf)  }
0x142: {  	v15 =	vmov s17;
	v18 =	vld [tilespmem:s18+$0x4000];
	v4 =	vmul.f32 $1.442695020e+00, v4;
	(erf) = vpow2.f32 v5;
	v8 =	vpop (erf)  }
0x143: {  	v15 =	vshll.u32 v15, $0x3;
	s19 =	simm.s32 $0x20;
	v5 =	vmul.f32 $1.442695020e+00, v12;
	(erf) = vpow2.f32 v6;
	v3 =	vld.idx.msk [tilespmem:v3+s12+$0x0], $0xffff;
	v12 =	vpop (erf)  }
0x144: {  	v19 =	vmov s19;
	s25 =	sor.u32 $0x280, s1;
	v6 =	vmul.f32 $1.442695020e+00, v13;
	(erf) = vpow2.f32 v4;
	v13 =	vpop (erf)  }
0x145: {  	s26 =	sor.u32 $0x300, s1;
	v4 =	vadd.f32 v10, v9;
	v7 =	vadd.f32 v7, v14;
	v10 =	vld [tilespmem:s25+$0x4000];
	v14 =	vmul.f32 $1.442695020e+00, v16;
	v9 =	vpop (erf)  }
0x146: {  	s28 =	sand.u32 $0x40, s24;
	s1 =	sor.u32 $0x380, s1;
	(erf) = vpow2.f32 v5;
	v8 =	vadd.f32 v12, v8;
	v9 =	vadd.f32 v9, v13;
	v13 =	vld [tilespmem:s26+$0x4000]  }
0x147: {  	s29 =	sor.u32 s28, s23;
	v16 =	vld [tilespmem:s1+$0x4000];
	v5 =	vmul.f32 $1.442695020e+00, v18;
	(erf) = vpow2.f32 v6;
	v4 =	vadd.f32 v7, v4  }
0x148: {  	(erf) = vpow2.f32 v14;
	v3 =	vmul.f32 $1.442695020e+00, v3;
	v6 =	vadd.f32 v9, v8;
	v8 =	vld [tilespmem:s29+$0x0]  }
0x149: {  	v7 =	vand.u32 $0x5F, v17;
	v14 =	vld [tilespmem:s29+$0x80];
	(erf) = vpow2.f32 v5;
	v9 =	vand.u32 $0x3C00, v15  }
0x14a: {  	(erf) = vpow2.f32 v3;
	v7 =	vor.u32 v9, v7;
	v9 =	vld [tilespmem:s29+$0x180];
	v4 =	vadd.f32 v6, v4  }
0x14b: {  	s30 =	sand.u32 $0x50, s17;
	v12 =	vor.u32 s19, v1;
	v15 =	vpop (erf);
	v6 =	vmul.f32 $1.442695020e+00, v10;
	v10 =	vld [tilespmem:s29+$0x100];
	v3 =	vmul.f32 $1.442695020e+00, v13  }
0x14c: {  	s3 =	sor.u32 s30, s23;
	v13 =	vpop (erf);
	(erf) = vrcp.f32 v4;
	v4 =	vand.u32 $0x6F, v12;
	v12 =	vmul.f32 $1.442695020e+00, v16  }
0x14d: {  	v5 =	vshll.u32 v19, $0x3;
	v16 =	vld [tilespmem:s3+$0x0];
	v17 =	vpop (erf);
	(erf) = vpow2.f32 v6;
	v6 =	vmul.f32 $1.442695020e+00, v8  }
0x14e: {  	v5 =	vand.u32 $0x3C00, v5;
	v8 =	vld [tilespmem:s3+$0x80];
	v18 =	vpop (erf);
	(erf) = vpow2.f32 v3;
	v3 =	vmul.f32 $1.442695020e+00, v14  }
0x14f: {  	v19 =	vor.u32 v5, v4;
	v4 =	vld [tilespmem:s3+$0x100];
	v14 =	vpop (erf);
	v9 =	vmul.f32 $1.442695020e+00, v9;
	(erf) = vpow2.f32 v12  }
0x150: {  	s4 =	sand.u32 $0x60, s19;
	v10 =	vmul.f32 $1.442695020e+00, v10;
	v12 =	vld [tilespmem:s3+$0x180];
	v20 =	vpop (erf);
	(erf) = vpow2.f32 v6  }
0x151: {  	s31 =	sor.u32 s4, s23;
	v22 =	vpop (erf);
	(erf) = vpow2.f32 v3  }
0x152: {  	v21 =	vld [tilespmem:s31+$0x0];
	v3 =	vmul.f32 $1.442695020e+00, v16;
	v23 =	vpop (erf);
	(erf) = vpow2.f32 v10  }
0x153: {  	v13 =	vadd.f32 v13, v15;
	v16 =	vld [tilespmem:s31+$0x80];
	v8 =	vmul.f32 $1.442695020e+00, v8;
	(erf) = vpow2.f32 v9;
	v9 =	vpop (erf)  }
0x154: {  	v5 =	vmov s24;
	v10 =	vld [tilespmem:s31+$0x100];
	v4 =	vmul.f32 $1.442695020e+00, v4;
	(erf) = vpow2.f32 v3;
	v26 =	vpop (erf)  }
0x155: {  	s0 =	sadd.s32 s28, s22;
	v25 =	vld [tilespmem:s31+$0x180];
	v5 =	vshll.u32 v5, $0x3;
	v12 =	vmul.f32 $1.442695020e+00, v12;
	(erf) = vpow2.f32 v8;
	v15 =	vpop (erf)  }
0x156: {  	v14 =	vadd.f32 v20, v14;
	v3 =	vld [tilespmem:s0+$0x0];
	v8 =	vadd.f32 v18, v17;
	v18 =	vpop (erf);
	(erf) = vpow2.f32 v4  }
0x157: {  	s1 =	sadd.s32 s30, s22;
	v17 =	vmul.f32 $1.442695020e+00, v21;
	v20 =	vpop (erf);
	(erf) = vpow2.f32 v12;
	v12 =	vadd.f32 v23, v22  }
0x158: {  	v24 =	vand.u32 $0x3C00, v5;
	v5 =	vld [tilespmem:s1+$0x0];
	v6 =	vor.u32 s24, v1;
	v16 =	vmul.f32 $1.442695020e+00, v16  }
0x159: {  	v6 =	vand.u32 $0x4F, v6;
	v10 =	vmul.f32 $1.442695020e+00, v10;
	v21 =	vpop (erf);
	(erf) = vpow2.f32 v17  }
0x15a: {  	v17 =	vmul.f32 $1.442695020e+00, v25;
	v22 =	vpop (erf);
	(erf) = vpow2.f32 v16;
	v16 =	vadd.f32 v8, v13  }
0x15b: {  	s5 =	sadd.s32 s4, s22;
	v8 =	vadd.f32 v12, v14;
	v12 =	vpop (erf);
	(erf) = vpow2.f32 v10;
	v10 =	vshll.u32 v3, $0xB  }
0x15c: {  	v6 =	vor.u32 v24, v6;
	v4 =	vld [tilespmem:s5+$0x0];
	v13 =	vpop (erf);
	v10 =	vand.u32 $0xFFFFC000, v10  }
0x15d: {  	v14 =	vmul.f32 v15, v26;
	v15 =	vshll.u32 v5, $0xB;
	(erf) = vpow2.f32 v17;
	v23 =	vpop (erf)  }
0x15e: {  	s6 =	simm.s32 $0x200;
	v9 =	vadd.f32 v18, v9;
	v24 =	vshll.u32 v3, $0x7;
	v15 =	vand.u32 $0xFFFFC000, v15;
	v25 =	vpop (erf)  }
0x15f: {  	s7 =	sand.u32 $0x3C00, s6;
	s8 =	simm.s32 $0x70;
	v7 =	vor.u32 v15, v7;
	v15 =	vadd.f32 v21, v20;
	v6 =	vor.u32 v10, v6;
	v10 =	vpop (erf)  }
0x160: {  	s9 =	sand.u32 $0x70, s8;
	s10 =	simm.s32 $0x4;
	s22 =	sor.u32 $0x4000, s7;
	v26 =	vshll.u32 v5, $0x7;
	v12 =	vadd.f32 v12, v22;
	v13 =	vadd.f32 v23, v13;
	v18 =	vpop (erf)  }
0x161: {  	s11 =	sor.u32 s9, s22;
	s3 =	sand.u32 $0x7, s10;
	v17 =	vshll.u32 v4, $0xB;
	v9 =	vadd.f32 v15, v9;
	v10 =	vadd.f32 v10, v25;
	v21 =	vpop (erf)  }
0x162: {  	s3 =	sshll.u32 s3, $0x4;
	v17 =	vand.u32 $0xFFFFC000, v17;
	v23 =	vld [tilespmem:s11+$0x0];
	v15 =	vadd.f32 v13, v12;
	v18 =	vadd.f32 v21, v18  }
0x163: {  	s3 =	sadd.s32 $0x200, s3;
	v20 =	vand.u32 $0x380, v24;
	v24 =	vld [tilespmem:s11+$0x80];
	v22 =	vand.u32 $0x380, v26;
	v17 =	vor.u32 v17, v19;
	v21 =	vpop (erf)  }
0x164: {  	s13 =	sadd.s32 $0x30, s3;
	v13 =	vor.u32 v20, v6;
	v9 =	vadd.f32 v9, v15;
	v19 =	vpop (erf);
	v6 =	vadd.f32 v18, v10;
	v10 =	vld [tilespmem:s11+$0x100]  }
0x165: {  	s14 =	sor.u32 $0x200, s13;
	v27 =	vshll.u32 v4, $0x7;
	v12 =	vor.u32 v22, v7;
	v7 =	vpop (erf);
	v19 =	vadd.f32 v19, v21;
	v21 =	vld [tilespmem:s11+$0x180]  }
0x166: {  	s18 =	sor.u32 $0x280, s13;
	v18 =	vand.u32 $0x380, v27;
	(erf) = vrcp.f32 v9;
	v20 =	vpop (erf);
	v6 =	vadd.f32 v16, v6;
	v16 =	vld [tilespmem:s14+$0x4000]  }
0x167: {  	s24 =	simm.s32 $0x40;
	s19 =	sor.u32 $0x300, s13;
	v15 =	vor.u32 v18, v17;
	v17 =	vmul.f32 $1.442695020e+00, v23;
	v18 =	vld [tilespmem:s18+$0x4000];
	v7 =	vadd.f32 v20, v7  }
0x168: {  	s17 =	rddreg [dreg:$0x5];
	s23 =	sand.u32 $0x780, s24;
	s26 =	sor.u32 $0x380, s13;
	v22 =	vld [tilespmem:s19+$0x4000];
	(erf) = vrcp.f32 v6;
	v6 =	vmul.f32 $1.442695020e+00, v24  }
0x169: {  	s23 =	sadd.s32 s23, s17;
	v19 =	vadd.f32 v7, v19;
	v7 =	vmul.f32 $1.442695020e+00, v10;
	v10 =	vld [tilespmem:s26+$0x4000];
	(erf) = vpow2.f32 v17  }
0x16a: {  	s25 =	simm.s32 $0x50;
	s1 =	sadd.s32 s9, s23;
	v21 =	vmul.f32 $1.442695020e+00, v21;
	(erf) = vpow2.f32 v6  }
0x16b: {  	s28 =	simm.s32 $0x2;
	s3 =	sadd.s32 $0x10, s3;
	v9 =	vmov s25;
	v17 =	vld [tilespmem:s1+$0x0];
	v6 =	vmul.f32 $1.442695020e+00, v16;
	(erf) = vpow2.f32 v7  }
0x16c: {  	s29 =	sand.u32 $0x3, s28;
	s30 =	sor.u32 $0x200, s3;
	v9 =	vshll.u32 v9, $0x3;
	v7 =	vmul.f32 $1.442695020e+00, v18;
	(erf) = vpow2.f32 v21  }
0x16d: {  	s31 =	sor.u32 $0x280, s3;
	s1 =	sshll.u32 s29, $0x5;
	v16 =	vor.u32 s8, v1;
	v18 =	vld [tilespmem:s30+$0x4000];
	v21 =	vmul.f32 $1.442695020e+00, v22;
	(erf) = vpow2.f32 v6  }
0x16e: {  	s6 =	sor.u32 $0x300, s3;
	s1 =	sadd.s32 $0x200, s1;
	v22 =	vld [tilespmem:s31+$0x4000];
	v6 =	vmov s8;
	v10 =	vmul.f32 $1.442695020e+00, v10;
	(erf) = vpow2.f32 v7  }
0x16f: {  	v25 =	vld [tilespmem:s6+$0x4000];
	s7 =	sadd.s32 $0x20, s1;
	s8 =	sor.u32 $0x380, s3;
	v7 =	vand.u32 $0x7F, v16;
	v16 =	vshll.u32 v6, $0x3;
	(erf) = vpow2.f32 v21  }
0x170: {  	s9 =	sor.u32 $0x200, s7;
	v26 =	vshll.u32 v17, $0xB;
	v16 =	vand.u32 $0x3C00, v16;
	v21 =	vld [tilespmem:s8+$0x4000];
	(erf) = vpow2.f32 v10  }
0x171: {  	v27 =	vld [tilespmem:s9+$0x4000];
	v10 =	vor.u32 v16, v7;
	v16 =	vand.u32 $0xFFFFC000, v26;
	v26 =	vshll.u32 v17, $0x7  }
0x172: {  	p1 =	por !p1, !p1;
	v20 =	vor.u32 s25, v1;
	s26 =	simm.s32 $0x60;
	s10 =	sor.u32 $0x280, s7;
	v6 =	vpop (erf);
	v18 =	vmul.f32 $1.442695020e+00, v18;
	v26 =	vand.u32 $0x380, v26  }
0x173: {  	s30 =	sand.u32 $0x60, s26;
	s0 =	sor.u32 $0x380, s7;
	s3 =	simm.s32 $0x1;
	v28 =	vld [tilespmem:s10+$0x4000];
	v7 =	vpop (erf);
	v10 =	vor.u32 v16, v10;
	v16 =	vand.u32 $0x5F, v20;
	v20 =	vmul.f32 $1.442695020e+00, v22  }
0x174: {  	v25 =	vmul.f32 $1.442695020e+00, v25;
	v9 =	vand.u32 $0x3C00, v9;
	s31 =	sor.u32 s30, s22;
	v30 =	vld [tilespmem:s0+$0x4000];
	s3 =	simm.s32 @!p1 $0x0;
	v29 =	vpop (erf)  }
0x175: {  	v23 =	vmov s26;
	s11 =	sor.u32 $0x300, s7;
	v46 =	vld [tilespmem:s31+$0x0];
	s3 =	sshll.u32 s3, $0x6;
	v10 =	vor.u32 v26, v10;
	v26 =	vpop (erf);
	v21 =	vmul.f32 $1.442695020e+00, v21  }
0x176: {  	v24 =	vor.u32 s26, v1;
	s13 =	sadd.s32 $0x200, s3;
	v22 =	vld [tilespmem:s11+$0x4000];
	(erf) = vpow2.f32 v18;
	v27 =	vmul.f32 $1.442695020e+00, v27;
	v18 =	vpop (erf)  }
0x177: {  	v23 =	vshll.u32 v23, $0x3;
	v24 =	vand.u32 $0x6F, v24;
	v48 =	vld [tilespmem:s31+$0x80];
	s3 =	sor.u32 $0x200, s13;
	(erf) = vpow2.f32 v20;
	v20 =	vpop (erf)  }
0x178: {  	v23 =	vand.u32 $0x3C00, v23;
	s14 =	sor.u32 $0x280, s13;
	v31 =	vld [tilespmem:s3+$0x4000];
	v28 =	vmul.f32 $1.442695020e+00, v28;
	(erf) = vpow2.f32 v25;
	v25 =	vpop (erf)  }
0x179: {  	v16 =	vor.u32 v9, v16;
	v9 =	vld [tilespmem:s14+$0x4000];
	v30 =	vmul.f32 $1.442695020e+00, v30;
	(erf) = vpow2.f32 v21;
	v21 =	vpop (erf)  }
0x17a: {  	v23 =	vor.u32 v23, v24;
	s17 =	sor.u32 $0x300, s13;
	v49 =	vmul.f32 $1.442695020e+00, v46;
	v10 =	vld.idx.msk [tilespmem:v10+s12+$0x0], $0xffff;
	(erf) = vpow2.f32 v27;
	v27 =	vpop (erf)  }
0x17b: {  	s28 =	sand.u32 $0x50, s25;
	s1 =	sor.u32 $0x380, s13;
	v43 =	vld [tilespmem:s17+$0x4000];
	v26 =	vadd.f32 v26, v29;
	v22 =	vmul.f32 $1.442695020e+00, v22;
	v18 =	vadd.f32 v20, v18;
	v20 =	vpop (erf)  }
0x17c: {  	s18 =	sand.u32 $0x40, s24;
	s29 =	sor.u32 s28, s22;
	v44 =	vld [tilespmem:s1+$0x4000];
	(erf) = vpow2.f32 v28;
	v21 =	vadd.f32 v21, v25;
	v20 =	vadd.f32 v20, v27  }
0x17d: {  	s19 =	sor.u32 s18, s22;
	v29 =	vld [tilespmem:s29+$0x80];
	v24 =	vmul.f32 $1.442695020e+00, v31;
	(erf) = vpow2.f32 v22;
	v22 =	vadd.f32 v18, v26  }
0x17e: {  	v50 =	vmul.f32 $1.442695020e+00, v48;
	v18 =	vadd.f32 v8, v19;
	v8 =	vld [tilespmem:s19+$0x180];
	v20 =	vadd.f32 v20, v21  }
0x17f: {  	v28 =	vld [tilespmem:s19+$0x0];
	(erf) = vpow2.f32 v30;
	v10 =	vmul.f32 $1.442695020e+00, v10  }
0x180: {  	v9 =	vmul.f32 $1.442695020e+00, v9;
	v25 =	vld [tilespmem:s19+$0x80];
	(erf) = vpow2.f32 v24;
	v20 =	vadd.f32 v20, v22  }
0x181: {  	v19 =	vmul.f32 $1.442695020e+00, v43;
	v27 =	vld [tilespmem:s19+$0x100];
	v24 =	vpop (erf);
	(erf) = vpow2.f32 v10  }
0x182: {  	s0 =	sadd.s32 s18, s23;
	v26 =	vmul.f32 $1.442695020e+00, v44;
	v21 =	vld [tilespmem:s29+$0x0];
	v30 =	vpop (erf);
	v22 =	vmov s24;
	(erf) = vrcp.f32 v20  }
0x183: {  	v47 =	vmul.f32 $1.442695020e+00, v8;
	v8 =	vld [tilespmem:s0+$0x0];
	(erf) = vpow2.f32 v9;
	v9 =	vshll.u32 v22, $0x3  }
0x184: {  	v10 =	vor.u32 s24, v1;
	v28 =	vmul.f32 $1.442695020e+00, v28;
	v20 =	vpop (erf);
	v9 =	vand.u32 $0x3C00, v9  }
0x185: {  	v31 =	vld [tilespmem:s29+$0x100];
	v25 =	vmul.f32 $1.442695020e+00, v25;
	v24 =	vadd.f32 v30, v24;
	(erf) = vpow2.f32 v19;
	v22 =	vpop (erf)  }
0x186: {  	v45 =	vld [tilespmem:s29+$0x180];
	v10 =	vand.u32 $0x4F, v10;
	v27 =	vmul.f32 $1.442695020e+00, v27;
	(erf) = vpow2.f32 v26;
	v19 =	vpop (erf)  }
0x187: {  	v26 =	vor.u32 v9, v10;
	v10 =	vmul.f32 $1.442695020e+00, v21;
	v21 =	vld [tilespmem:s31+$0x100];
	(erf) = vpow2.f32 v28;
	v9 =	vpop (erf)  }
0x188: {  	v53 =	vshll.u32 v8, $0x7;
	v28 =	vmul.f32 $1.442695020e+00, v29;
	v29 =	vld [tilespmem:s31+$0x180];
	(erf) = vpow2.f32 v25;
	v30 =	vpop (erf)  }
0x189: {  	s1 =	sadd.s32 s28, s23;
	v20 =	vadd.f32 v22, v20;
	(erf) = vpow2.f32 v27;
	v19 =	vadd.f32 v9, v19;
	v25 =	vpop (erf)  }
0x18a: {  	v22 =	vmul.f32 $1.442695020e+00, v31;
	v9 =	vld [tilespmem:s1+$0x0];
	(erf) = vpow2.f32 v47;
	v31 =	vpop (erf);
	v25 =	vadd.f32 v25, v30  }
0x18b: {  	v27 =	vmul.f32 $1.442695020e+00, v45;
	v24 =	vadd.f32 v20, v24;
	(erf) = vpow2.f32 v10;
	v30 =	vpop (erf)  }
0x18c: {  	s5 =	sadd.s32 s30, s23;
	v51 =	vmul.f32 $1.442695020e+00, v21;
	(erf) = vpow2.f32 v28;
	v28 =	vpop (erf);
	v20 =	vadd.f32 v25, v19  }
0x18d: {  	v10 =	vld [tilespmem:s5+$0x0];
	v25 =	vshll.u32 v8, $0xB;
	v19 =	vpop (erf);
	(erf) = vpow2.f32 v22;
	v22 =	vmul.f32 $1.442695020e+00, v29  }
0x18e: {  	s22 =	simm.s32 $0x400;
	v21 =	vmul.f32 v28, v30;
	v25 =	vand.u32 $0xFFFFC000, v25;
	v29 =	vpop (erf);
	(erf) = vpow2.f32 v27  }
0x18f: {  	s30 =	simm.s32 $0x80;
	s6 =	sand.u32 $0x3C00, s22;
	v55 =	vshll.u32 v9, $0x7;
	v27 =	vshll.u32 v9, $0xB;
	v28 =	vpop (erf);
	(erf) = vpow2.f32 v49  }
0x190: {  	s18 =	sand.u32 $0x780, s30;
	s25 =	sor.u32 $0x4000, s6;
	s19 =	simm.s32 $0x4;
	v25 =	vor.u32 v25, v26;
	v26 =	vand.u32 $0x380, v53;
	v30 =	vpop (erf);
	(erf) = vpow2.f32 v50  }
0x191: {  	s13 =	rddreg [dreg:$0x5];
	s23 =	simm.s32 $0xB0;
	s3 =	sand.u32 $0x3, s19;
	v19 =	vadd.f32 v19, v31;
	v27 =	vand.u32 $0xFFFFC000, v27;
	v54 =	vpop (erf);
	(erf) = vpow2.f32 v51  }
0x192: {  	s26 =	sadd.s32 s18, s13;
	s3 =	sshll.u32 s3, $0x5;
	s24 =	simm.s32 $0x8;
	v52 =	vshll.u32 v10, $0xB;
	v25 =	vor.u32 v26, v25;
	v56 =	vpop (erf);
	(erf) = vpow2.f32 v22  }
0x193: {  	v13 =	vld.idx.msk [tilespmem:v13+s12+$0x0], $0xffff;
	s7 =	sand.u32 $0x70, s23;
	s3 =	sadd.s32 $0x400, s3;
	s8 =	sand.u32 $0x7, s24;
	v32 =	vand.u32 $0xFFFFC000, v52;
	v16 =	vor.u32 v27, v16;
	v27 =	vand.u32 $0x380, v55;
	v37 =	vpop (erf)  }
0x194: {  	v12 =	vld.idx.msk [tilespmem:v12+s12+$0x0], $0xffff;
	s9 =	sor.u32 s7, s25;
	s3 =	sadd.s32 $0x20, s3;
	s1 =	sshll.u32 s8, $0x4;
	v28 =	vadd.f32 v28, v29;
	v23 =	vor.u32 v32, v23;
	v22 =	vshll.u32 v10, $0x7;
	v57 =	vpop (erf)  }
0x195: {  	v15 =	vld.idx.msk [tilespmem:v15+s12+$0x0], $0xffff;
	s0 =	sadd.s32 s7, s26;
	s7 =	sor.u32 $0x280, s3;
	s1 =	sadd.s32 $0x400, s1;
	v26 =	vor.u32 v27, v16;
	v16 =	vand.u32 $0x380, v22;
	v22 =	vadd.f32 v54, v30;
	v29 =	vpop (erf)  }
0x196: {  	v39 =	vld [tilespmem:s7+$0x4000];
	s8 =	sor.u32 $0x300, s3;
	s10 =	sadd.s32 $0x30, s1;
	s1 =	sadd.s32 $0x10, s1;
	v19 =	vadd.f32 v28, v19;
	v30 =	vpop (erf);
	v28 =	vadd.f32 v29, v57  }
0x197: {  	v40 =	vld [tilespmem:s8+$0x4000];
	s5 =	sor.u32 $0x300, s1;
	v27 =	vor.u32 v16, v23;
	v16 =	vadd.f32 v37, v56;
	v23 =	vpop (erf)  }
0x198: {  	v13 =	vmul.f32 $1.442695020e+00, v13;
	v62 =	vld [tilespmem:s5+$0x4000];
	v23 =	vadd.f32 v23, v30;
	v29 =	vpop (erf)  }
0x199: {  	v12 =	vmul.f32 $1.442695020e+00, v12;
	(erf) = vrcp.f32 v18;
	v18 =	vld [tilespmem:s9+$0x0];
	v16 =	vadd.f32 v16, v22;
	v22 =	vpop (erf)  }
0x19a: {  	v15 =	vmul.f32 $1.442695020e+00, v15;
	(erf) = vpow2.f32 v13;
	v13 =	vld [tilespmem:s9+$0x80];
	v23 =	vadd.f32 v23, v28;
	v28 =	vpop (erf)  }
0x19b: {  	v16 =	vadd.f32 v19, v16;
	(erf) = vpow2.f32 v12;
	v12 =	vld [tilespmem:s9+$0x100];
	v19 =	vpop (erf)  }
0x19c: {  	s11 =	sor.u32 $0x200, s10;
	(erf) = vpow2.f32 v15;
	v15 =	vld [tilespmem:s9+$0x180];
	v22 =	vadd.f32 v22, v29;
	v19 =	vadd.f32 v19, v28  }
0x19d: {  	v39 =	vmul.f32 $1.442695020e+00, v39;
	s14 =	sor.u32 $0x280, s10;
	v40 =	vmul.f32 $1.442695020e+00, v40;
	v23 =	vadd.f32 v24, v23;
	v28 =	vld [tilespmem:s11+$0x4000]  }
0x19e: {  	s28 =	simm.s32 $0xA0;
	s17 =	sor.u32 $0x300, s10;
	v18 =	vmul.f32 $1.442695020e+00, v18;
	(erf) = vrcp.f32 v16;
	v22 =	vadd.f32 v19, v22;
	v19 =	vld [tilespmem:s14+$0x4000]  }
0x19f: {  	v58 =	vor.u32 s28, v1;
	s29 =	simm.s32 $0x90;
	s4 =	sor.u32 $0x380, s10;
	v13 =	vmul.f32 $1.442695020e+00, v13;
	(erf) = vrcp.f32 v23;
	v23 =	vld [tilespmem:s17+$0x4000]  }
0x1a0: {  	v31 =	vld [tilespmem:s4+$0x4000];
	s4 =	sor.u32 $0x280, s1;
	v16 =	vmov s29;
	v12 =	vmul.f32 $1.442695020e+00, v12;
	(erf) = vpow2.f32 v18  }
0x1a1: {  	s31 =	sor.u32 $0x200, s1;
	v61 =	vld [tilespmem:s4+$0x4000];
	v16 =	vshll.u32 v16, $0x3;
	v15 =	vmul.f32 $1.442695020e+00, v15;
	(erf) = vpow2.f32 v13  }
0x1a2: {  	v59 =	vand.u32 $0x3C00, v16;
	v16 =	vmul.f32 $1.442695020e+00, v28;
	(erf) = vpow2.f32 v12;
	v28 =	vld [tilespmem:s31+$0x4000]  }
0x1a3: {  	v60 =	vor.u32 s23, v1;
	v29 =	vld [tilespmem:s0+$0x0];
	(erf) = vpow2.f32 v15;
	v19 =	vmul.f32 $1.442695020e+00, v19  }
0x1a4: {  	p1 =	por !p1, !p1;
	s1 =	sor.u32 $0x380, s1;
	s0 =	simm.s32 $0x1;
	v13 =	vpop (erf);
	v15 =	vmov s23;
	v23 =	vmul.f32 $1.442695020e+00, v23;
	(erf) = vpow2.f32 v16  }
0x1a5: {  	s6 =	sor.u32 $0x200, s3;
	v63 =	vld [tilespmem:s1+$0x4000];
	v36 =	vmul.f32 $1.442695020e+00, v62;
	s0 =	simm.s32 @!p1 $0x0;
	v12 =	vpop (erf);
	v15 =	vshll.u32 v15, $0x3;
	(erf) = vpow2.f32 v19  }
0x1a6: {  	v31 =	vmul.f32 $1.442695020e+00, v31;
	s0 =	sshll.u32 s0, $0x6;
	v18 =	vpop (erf);
	v19 =	vand.u32 $0x7F, v60;
	(erf) = vpow2.f32 v23;
	v23 =	vld [tilespmem:s6+$0x4000]  }
0x1a7: {  	v32 =	vand.u32 $0x6F, v58;
	v47 =	vmul.f32 $1.442695020e+00, v61;
	s9 =	sor.u32 $0x380, s3;
	s0 =	sadd.s32 $0x400, s0;
	v16 =	vpop (erf);
	v28 =	vmul.f32 $1.442695020e+00, v28  }
0x1a8: {  	v41 =	vld [tilespmem:s9+$0x4000];
	s10 =	sor.u32 $0x200, s0;
	s11 =	sor.u32 $0x280, s0;
	v38 =	vshll.u32 v29, $0xB;
	v45 =	vand.u32 $0x3C00, v15;
	v15 =	vpop (erf);
	(erf) = vpow2.f32 v31  }
0x1a9: {  	s13 =	sor.u32 $0x300, s0;
	s0 =	sor.u32 $0x380, s0;
	s14 =	sand.u32 $0x40, s30;
	v46 =	vshll.u32 v29, $0x7;
	v42 =	vld [tilespmem:s10+$0x4000];
	v34 =	vor.u32 v45, v19;
	v31 =	vand.u32 $0xFFFFC000, v38;
	v19 =	vpop (erf)  }
0x1aa: {  	v37 =	vmul.f32 $1.442695020e+00, v63;
	v43 =	vld [tilespmem:s0+$0x4000];
	s17 =	sor.u32 s14, s25;
	v38 =	vand.u32 $0x380, v46;
	v31 =	vor.u32 v31, v34;
	v48 =	vpop (erf)  }
0x1ab: {  	s18 =	sand.u32 $0x50, s29;
	v54 =	vld [tilespmem:s17+$0x0];
	(erf) = vpow2.f32 v28;
	v38 =	vor.u32 v38, v31;
	v28 =	vpop (erf);
	v23 =	vmul.f32 $1.442695020e+00, v23  }
0x1ac: {  	s19 =	sor.u32 s18, s25;
	v30 =	vmov s28;
	v24 =	vor.u32 s29, v1;
	v51 =	vld [tilespmem:s13+$0x4000];
	(erf) = vpow2.f32 v47;
	v49 =	vpop (erf)  }
0x1ad: {  	v62 =	vld [tilespmem:s19+$0x100];
	v30 =	vshll.u32 v30, $0x3;
	v24 =	vand.u32 $0x5F, v24;
	(erf) = vpow2.f32 v36;
	v50 =	vpop (erf)  }
0x1ae: {  	v41 =	vmul.f32 $1.442695020e+00, v41;
	v31 =	vor.u32 v59, v24;
	v24 =	vld [tilespmem:s11+$0x4000];
	(erf) = vpow2.f32 v37;
	v52 =	vpop (erf)  }
0x1af: {  	v61 =	vld [tilespmem:s19+$0x80];
	v30 =	vand.u32 $0x3C00, v30;
	v42 =	vmul.f32 $1.442695020e+00, v42;
	(erf) = vpow2.f32 v23;
	v23 =	vpop (erf)  }
0x1b0: {  	v32 =	vor.u32 v30, v32;
	v30 =	vmul.f32 $1.442695020e+00, v43;
	v35 =	vmul.f32 $1.442695020e+00, v54;
	v38 =	vld.idx.msk [tilespmem:v38+s12+$0x0], $0xffff;
	v53 =	vpop (erf)  }
0x1b1: {  	v57 =	vld [tilespmem:s17+$0x100];
	v28 =	vadd.f32 v28, v48;
	v36 =	vmul.f32 $1.442695020e+00, v51;
	v33 =	vadd.f32 v50, v49;
	v55 =	vpop (erf)  }
0x1b2: {  	v58 =	vld [tilespmem:s17+$0x180];
	v37 =	vmul.f32 $1.442695020e+00, v62;
	v23 =	vadd.f32 v23, v52;
	v34 =	vadd.f32 v55, v53  }
0x1b3: {  	v59 =	vld [tilespmem:s19+$0x0];
	(erf) = vpow2.f32 v39;
	v24 =	vmul.f32 $1.442695020e+00, v24  }
0x1b4: {  	v63 =	vld [tilespmem:s19+$0x180];
	s28 =	sand.u32 $0x60, s28;
	(erf) = vpow2.f32 v40;
	v28 =	vadd.f32 v33, v28;
	v23 =	vadd.f32 v34, v23  }
0x1b5: {  	v44 =	vmov s30;
	s29 =	sor.u32 s28, s25;
	v56 =	vld [tilespmem:s17+$0x80];
	(erf) = vpow2.f32 v41;
	v60 =	vmul.f32 $1.442695020e+00, v38  }
0x1b6: {  	v39 =	vmul.f32 $1.442695020e+00, v57;
	v52 =	vld [tilespmem:s29+$0x80];
	(erf) = vpow2.f32 v42;
	v23 =	vadd.f32 v23, v28  }
0x1b7: {  	v20 =	vadd.f32 v20, v22;
	v40 =	vmul.f32 $1.442695020e+00, v58;
	v22 =	vpop (erf);
	(erf) = vpow2.f32 v60  }
0x1b8: {  	v46 =	vld [tilespmem:s29+$0x180];
	v33 =	vmul.f32 $1.442695020e+00, v59;
	v49 =	vpop (erf);
	(erf) = vrcp.f32 v23;
	v23 =	vshll.u32 v44, $0x3  }
0x1b9: {  	v51 =	vld [tilespmem:s29+$0x0];
	v38 =	vmul.f32 $1.442695020e+00, v61;
	v34 =	vmul.f32 $1.442695020e+00, v63;
	v23 =	vand.u32 $0x3C00, v23  }
0x1ba: {  	v45 =	vor.u32 s30, v1;
	v50 =	vpop (erf);
	v28 =	vmul.f32 $1.442695020e+00, v56;
	(erf) = vpow2.f32 v24  }
0x1bb: {  	s30 =	sadd.s32 s18, s26;
	v48 =	vand.u32 $0x4F, v45;
	v53 =	vld [tilespmem:s29+$0x100];
	v57 =	vmul.f32 $1.442695020e+00, v52;
	v24 =	vpop (erf);
	(erf) = vpow2.f32 v36  }
0x1bc: {  	v36 =	vor.u32 v23, v48;
	v55 =	vadd.f32 v24, v50;
	v24 =	vld [tilespmem:s30+$0x0];
	v23 =	vpop (erf);
	(erf) = vpow2.f32 v30  }
0x1bd: {  	v60 =	vmul.f32 $1.442695020e+00, v46;
	v54 =	vpop (erf);
	(erf) = vpow2.f32 v35  }
0x1be: {  	s0 =	sadd.s32 s14, s26;
	v56 =	vmul.f32 $1.442695020e+00, v51;
	(erf) = vpow2.f32 v28;
	v28 =	vpop (erf)  }
0x1bf: {  	v30 =	vadd.f32 v49, v22;
	v22 =	vld [tilespmem:s0+$0x0];
	v42 =	vadd.f32 v54, v23;
	v23 =	vpop (erf);
	(erf) = vpow2.f32 v39  }
0x1c0: {  	v58 =	vmul.f32 $1.442695020e+00, v53;
	(erf) = vpow2.f32 v40;
	v40 =	vpop (erf)  }
0x1c1: {  	s31 =	sadd.s32 s28, s26;
	v30 =	vadd.f32 v55, v30;
	v54 =	vld.idx.msk [tilespmem:v25+s12+$0x0], $0xffff;
	v49 =	vshll.u32 v24, $0xB;
	(erf) = vpow2.f32 v33;
	v59 =	vpop (erf)  }
0x1c2: {  	v25 =	vshll.u32 v24, $0x7;
	v28 =	vadd.f32 v23, v28;
	v23 =	vld [tilespmem:s31+$0x0];
	(erf) = vpow2.f32 v38;
	v61 =	vpop (erf)  }
0x1c3: {  	[tilespmem:v11+s15+$0x0] =	vst.idx.add.f32.msk $0xffff, v14;
	v14 =	vand.u32 $0xFFFFC000, v49;
	v25 =	vand.u32 $0x380, v25;
	v63 =	vpop (erf);
	(erf) = vpow2.f32 v37  }
0x1c4: {  	[tilespmem:v11+s16+$0x0] =	vst.idx.add.f32.msk $0xffff, v2;
	v62 =	vshll.u32 v22, $0xB;
	v11 =	vshll.u32 v22, $0x7;
	(erf) = vpow2.f32 v34;
	v50 =	vpop (erf)  }
0x1c5: {  	v14 =	vor.u32 v14, v31;
	v48 =	vand.u32 $0xFFFFC000, v62;
	(erf) = vpow2.f32 v56;
	v52 =	vpop (erf)  }
0x1c6: {  	v11 =	vand.u32 $0x380, v11;
	v33 =	vmul.f32 v61, v59;
	v55 =	vor.u32 v48, v36;
	v53 =	vpop (erf)  }
0x1c7: {  	v59 =	vld.idx.msk [tilespmem:v27+s12+$0x0], $0xffff;
	v51 =	vshll.u32 v23, $0xB;
	v31 =	vshll.u32 v23, $0x7;
	(erf) = vpow2.f32 v57;
	v56 =	vpop (erf)  }
0x1c8: {  	v57 =	vld.idx.msk [tilespmem:v26+s12+$0x0], $0xffff;
	v26 =	vor.u32 v11, v55;
	v11 =	vand.u32 $0x380, v31;
	(erf) = vpow2.f32 v58;
	v58 =	vpop (erf)  }
0x1c9: {  	[tilespmem:v17+s15+$0x0] =	vst.idx.add.f32.msk $0xffff, v21;
	v28 =	vadd.f32 v28, v42;
	v42 =	vand.u32 $0xFFFFC000, v51;
	(erf) = vpow2.f32 v60;
	v60 =	vpop (erf)  }
0x1ca: {  	[tilespmem:v17+s16+$0x0] =	vst.idx.add.f32.msk $0xffff, v2;
	v25 =	vor.u32 v25, v14;
	v27 =	vor.u32 v42, v32;
	v14 =	vpop (erf)  }
0x1cb: {  	v61 =	vadd.f32 v63, v40;
	v34 =	vadd.f32 v52, v50;
	v21 =	vor.u32 v11, v27;
	v11 =	vpop (erf)  }
0x1cc: {  	[tilespmem:v29+s15+$0x0] =	vst.idx.add.f32.msk $0xffff, v33;
	v31 =	vmul.f32 $1.442695020e+00, v54;
	v17 =	vadd.f32 v56, v53;
	v62 =	vadd.f32 v60, v58;
	v63 =	vpop (erf)  }
0x1cd: {  	[tilespmem:v29+s16+$0x0] =	vst.idx.add.f32.msk $0xffff, v2;
	v27 =	vadd.f32 v34, v61;
	v29 =	vmul.f32 $1.442695020e+00, v59;
	v34 =	vadd.f32 v11, v14;
	v11 =	vpop (erf)  }
0x1ce: {  	p1 =	por !p1, !p1;
	s25 =	simm.s32 $0x8;
	s26 =	simm.s32 $0x6;
	v32 =	vmul.f32 $1.442695020e+00, v57;
	v33 =	vadd.f32 v62, v17;
	v14 =	vadd.f32 v11, v63;
	v35 =	vpop (erf)  }
.LBB2_5:
0x1cf: {  	s0 =	sand.u32 $0x3, s26;
	s22 =	sadd.s32 $0x200, s22  }
0x1d0: {  	v11 =	vld.idx.msk [tilespmem:v26+s12+$0x0], $0xffff;
	v18 =	vmul.f32 v7, v18;
	s23 =	sadd.s32 $0x40, s23;
	s24 =	sadd.s32 $0x4, s24;
	s0 =	sshll.u32 s0, $0x5  }
0x1d1: {  	v7 =	vmov v19;
	v19 =	vadd.f32 v14, v34;
	v14 =	vld.idx.msk [tilespmem:v25+s12+$0x0], $0xffff;
	s8 =	sand.u32 $0x3C00, s22;
	s4 =	sand.u32 $0x7, s24;
	s3 =	sadd.s32 s22, s0  }
0x1d2: {  	v48 =	vmul.f32 v13, v16;
	s28 =	sor.u32 $0x4000, s8;
	s0 =	sand.u32 $0x70, s23;
	[tilespmem:v5+s15+$0x0] =	vst.idx.add.f32.msk $0xffff, v18;
	s4 =	sshll.u32 s4, $0x4  }
0x1d3: {  	v26 =	vadd.f32 v27, v33;
	v52 =	vor.u32 s23, v1;
	s6 =	sor.u32 s0, s28;
	[tilespmem:v5+s16+$0x0] =	vst.idx.add.f32.msk $0xffff, v2;
	s9 =	sadd.s32 s22, s4;
	v17 =	vpop (erf);
	(erf) = vrcp.f32 v20  }
0x1d4: {  	s30 =	sadd.s32 $0x20, s3;
	v5 =	vmov v9;
	v9 =	vmov v24;
	v24 =	vld [tilespmem:s6+$0x100];
	s3 =	sadd.s32 $0x30, s9;
	v25 =	vpop (erf);
	(erf) = vpow2.f32 v31  }
0x1d5: {  	s7 =	sadd.s32 $0xFFFFFFF0, s23;
	v13 =	vadd.f32 v30, v19;
	s18 =	sor.u32 $0x300, s3;
	v20 =	vadd.f32 v17, v35;
	v17 =	vld.idx.msk [tilespmem:v21+s12+$0x0], $0xffff;
	v21 =	vpop (erf);
	(erf) = vpow2.f32 v32  }
0x1d6: {  	s5 =	sadd.s32 $0xFFFFFFE0, s23;
	v19 =	vmov s7;
	v49 =	vld [tilespmem:s18+$0x4000];
	v16 =	vadd.f32 v21, v25;
	(erf) = vpow2.f32 v29  }
0x1d7: {  	v25 =	vmul.f32 v6, v12;
	v6 =	vmovc v15;
	v15 =	vld [tilespmem:s6+$0x0];
	(erf) = vrcp.f32 v26;
	v26 =	vmov s5  }
0x1d8: {  	s13 =	sor.u32 $0x200, s3;
	s17 =	sor.u32 $0x280, s3;
	s3 =	sor.u32 $0x380, s3;
	v21 =	vmovc v3;
	v12 =	vor.u32 s5, v1;
	v3 =	vmovc v8;
	v8 =	vmov v22;
	v22 =	vld [tilespmem:s6+$0x80];
	v18 =	vshll.u32 v26, $0x3  }
0x1d9: {  	v19 =	vshll.u32 v19, $0x3;
	v51 =	vld [tilespmem:s3+$0x4000];
	v12 =	vand.u32 $0x5F, v12;
	v18 =	vand.u32 $0x3C00, v18  }
0x1da: {  	s14 =	sadd.s32 $0xFFFFFFD0, s23;
	v16 =	vadd.f32 v16, v20;
	v26 =	vor.u32 v18, v12;
	v18 =	vand.u32 $0x3C00, v19;
	v19 =	vld [tilespmem:s6+$0x180]  }
0x1db: {  	v36 =	vmov s14;
	s4 =	sadd.s32 $0x10, s9;
	v29 =	vmovc v10;
	v10 =	vmovc v23;
	v23 =	vld [tilespmem:s13+$0x4000];
	v20 =	vor.u32 s7, v1;
	(erf) = vrcp.f32 v13  }
0x1dc: {  	s31 =	sor.u32 $0x280, s4;
	v30 =	vand.u32 $0x6F, v20;
	v20 =	vadd.f32 v28, v16;
	v28 =	vld [tilespmem:s17+$0x4000];
	v37 =	vmul.f32 $1.442695020e+00, v15;
	v13 =	vpop (erf)  }
0x1dd: {  	s10 =	rddreg [dreg:$0x5];
	s8 =	sand.u32 $0x780, s14;
	v54 =	vld [tilespmem:s31+$0x4000];
	v31 =	vor.u32 s14, v1;
	v24 =	vmul.f32 $1.442695020e+00, v24;
	v22 =	vmul.f32 $1.442695020e+00, v22;
	v12 =	vpop (erf)  }
0x1de: {  	s29 =	sand.u32 $0x50, s5;
	[tilespmem:v4+s15+$0x0] =	vst.idx.add.f32.msk $0xffff, v48;
	s13 =	sor.u32 $0x280, s30;
	s5 =	sadd.s32 s8, s10;
	v27 =	vor.u32 v18, v30;
	v30 =	vand.u32 $0x4F, v31;
	v18 =	vpop (erf);
	(erf) = vpow2.f32 v37  }
0x1df: {  	v60 =	vld [tilespmem:s13+$0x4000];
	s0 =	sadd.s32 s0, s5;
	v31 =	vshll.u32 v36, $0x3;
	v16 =	vpop (erf);
	v19 =	vmul.f32 $1.442695020e+00, v19;
	(erf) = vpow2.f32 v22  }
0x1e0: {  	s19 =	sor.u32 $0x200, s4;
	v23 =	vmul.f32 $1.442695020e+00, v23;
	v50 =	vand.u32 $0x3C00, v31;
	v31 =	vld [tilespmem:s0+$0x0];
	v15 =	vpop (erf);
	(erf) = vpow2.f32 v24  }
0x1e1: {  	s1 =	simm.s32 $0x1;
	v53 =	vmov s23;
	s10 =	sor.u32 $0x200, s30;
	v22 =	vld [tilespmem:s19+$0x4000];
	v24 =	vmul.f32 $1.442695020e+00, v28;
	(erf) = vpow2.f32 v19  }
0x1e2: {  	s1 =	simm.s32 @!p1 $0x0;
	v55 =	vshll.u32 v53, $0x3;
	s8 =	sor.u32 $0x300, s4;
	v38 =	vmul.f32 $1.442695020e+00, v49;
	v58 =	vld [tilespmem:s10+$0x4000];
	(erf) = vpow2.f32 v23  }
0x1e3: {  	s1 =	sshll.u32 s1, $0x6;
	v32 =	vand.u32 $0x3C00, v55;
	s4 =	sor.u32 $0x380, s4;
	v56 =	vmul.f32 $1.442695020e+00, v51;
	v23 =	vld [tilespmem:s8+$0x4000];
	(erf) = vpow2.f32 v24  }
0x1e4: {  	s11 =	sadd.s32 s1, s22;
	s18 =	sor.u32 $0x380, s30;
	v40 =	vmul.f32 $1.442695020e+00, v54;
	v28 =	vand.u32 $0x7F, v52;
	v24 =	vld [tilespmem:s4+$0x4000];
	(erf) = vpow2.f32 v38  }
0x1e5: {  	s3 =	sor.u32 $0x380, s11;
	v49 =	vld [tilespmem:s18+$0x4000];
	v57 =	vshll.u32 v31, $0xB;
	v28 =	vor.u32 v32, v28;
	v19 =	vpop (erf);
	(erf) = vpow2.f32 v56  }
0x1e6: {  	s1 =	sand.u32 $0x60, s7;
	s7 =	sor.u32 $0x300, s30;
	v54 =	vld [tilespmem:s3+$0x4000];
	v41 =	vshll.u32 v31, $0x7;
	v59 =	vand.u32 $0xFFFFC000, v57;
	v39 =	vmul.f32 $1.442695020e+00, v22  }
0x1e7: {  	v62 =	vld [tilespmem:s7+$0x4000];
	s17 =	sor.u32 $0x300, s11;
	v44 =	vmul.f32 $1.442695020e+00, v60;
	v61 =	vand.u32 $0x380, v41;
	v28 =	vor.u32 v59, v28;
	v63 =	vpop (erf)  }
0x1e8: {  	s19 =	sor.u32 $0x280, s11;
	v52 =	vld [tilespmem:s17+$0x4000];
	v28 =	vor.u32 v61, v28;
	v48 =	vmul.f32 $1.442695020e+00, v23;
	(erf) = vpow2.f32 v39;
	v22 =	vpop (erf)  }
0x1e9: {  	s9 =	sand.u32 $0x40, s14;
	s14 =	sor.u32 $0x200, s11;
	v51 =	vld [tilespmem:s19+$0x4000];
	v32 =	vor.u32 v50, v30;
	v42 =	vmul.f32 $1.442695020e+00, v24;
	(erf) = vpow2.f32 v40;
	v30 =	vpop (erf)  }
0x1ea: {  	v43 =	vmul.f32 $1.442695020e+00, v58;
	s11 =	sor.u32 s9, s28;
	v50 =	vld [tilespmem:s14+$0x4000];
	(erf) = vpow2.f32 v48;
	v23 =	vpop (erf)  }
0x1eb: {  	v36 =	vmul.f32 $1.442695020e+00, v49;
	v57 =	vld [tilespmem:s11+$0x80];
	(erf) = vpow2.f32 v42;
	v24 =	vpop (erf)  }
0x1ec: {  	v34 =	vmul.f32 $1.442695020e+00, v62;
	(erf) = vpow2.f32 v43;
	v53 =	vpop (erf)  }
0x1ed: {  	v62 =	vmul.f32 $1.442695020e+00, v54;
	v60 =	vmul.f32 $1.442695020e+00, v52;
	v28 =	vld.idx.msk [tilespmem:v28+s12+$0x0], $0xffff;
	v55 =	vpop (erf)  }
0x1ee: {  	v56 =	vld [tilespmem:s11+$0x0];
	v22 =	vadd.f32 v22, v63;
	v23 =	vadd.f32 v23, v30;
	(erf) = vpow2.f32 v44;
	v30 =	vpop (erf)  }
0x1ef: {  	s6 =	sor.u32 s1, s28;
	v61 =	vld [tilespmem:s11+$0x180];
	v38 =	vmul.f32 $1.442695020e+00, v50;
	v58 =	vadd.f32 v53, v24;
	v30 =	vadd.f32 v30, v55  }
0x1f0: {  	s0 =	sor.u32 s29, s28;
	v39 =	vmul.f32 $1.442695020e+00, v51;
	v35 =	vmul.f32 $1.442695020e+00, v57;
	v57 =	vld [tilespmem:s6+$0x80]  }
0x1f1: {  	v49 =	vld [tilespmem:s0+$0x80];
	v22 =	vadd.f32 v23, v22;
	(erf) = vpow2.f32 v34;
	v24 =	vpop (erf);
	v43 =	vadd.f32 v30, v58  }
0x1f2: {  	v53 =	vld [tilespmem:s0+$0x180];
	v28 =	vmul.f32 $1.442695020e+00, v28;
	(erf) = vpow2.f32 v36;
	v63 =	vpop (erf)  }
0x1f3: {  	v59 =	vld [tilespmem:s11+$0x100];
	v48 =	vmul.f32 $1.442695020e+00, v56;
	(erf) = vpow2.f32 v38;
	v23 =	vpop (erf);
	v50 =	vadd.f32 v43, v22  }
0x1f4: {  	v34 =	vmul.f32 $1.442695020e+00, v61;
	v61 =	vld [tilespmem:s6+$0x180];
	v52 =	vpop (erf);
	(erf) = vpow2.f32 v28  }
0x1f5: {  	v46 =	vmul.f32 $1.442695020e+00, v57;
	v30 =	vld [tilespmem:s0+$0x0];
	v54 =	vpop (erf);
	(erf) = vrcp.f32 v50  }
0x1f6: {  	v55 =	vld [tilespmem:s6+$0x0];
	v58 =	vmul.f32 $1.442695020e+00, v49;
	v23 =	vadd.f32 v52, v23;
	(erf) = vpow2.f32 v39  }
0x1f7: {  	v51 =	vld [tilespmem:s0+$0x100];
	v33 =	vmul.f32 $1.442695020e+00, v53;
	v22 =	vpop (erf);
	(erf) = vpow2.f32 v60  }
0x1f8: {  	s31 =	sadd.s32 s9, s5;
	v24 =	vadd.f32 v63, v24;
	v28 =	vmul.f32 $1.442695020e+00, v59;
	v59 =	vld [tilespmem:s6+$0x100];
	(erf) = vpow2.f32 v62  }
0x1f9: {  	v38 =	vmul.f32 $1.442695020e+00, v61;
	v40 =	vadd.f32 v22, v54;
	v22 =	vld [tilespmem:s31+$0x0];
	(erf) = vpow2.f32 v48  }
0x1fa: {  	s29 =	sadd.s32 s29, s5;
	v56 =	vmul.f32 $1.442695020e+00, v30;
	v30 =	vadd.f32 v23, v24;
	v23 =	vpop (erf);
	(erf) = vpow2.f32 v35  }
0x1fb: {  	v63 =	vmul.f32 $1.442695020e+00, v55;
	v24 =	vld [tilespmem:s29+$0x0];
	v62 =	vpop (erf);
	(erf) = vpow2.f32 v28  }
0x1fc: {  	s9 =	sadd.s32 s1, s5;
	[tilespmem:v21+s15+$0x0] =	vst.idx.add.f32.msk $0xffff, v25;
	v60 =	vmul.f32 $1.442695020e+00, v51;
	v47 =	vpop (erf);
	(erf) = vpow2.f32 v34  }
0x1fd: {  	v42 =	vmul.f32 $1.442695020e+00, v59;
	v45 =	vadd.f32 v62, v23;
	v23 =	vld [tilespmem:s9+$0x0];
	v48 =	vpop (erf);
	(erf) = vpow2.f32 v56  }
0x1fe: {  	[tilespmem:v4+s16+$0x0] =	vst.idx.add.f32.msk $0xffff, v2;
	v4 =	vmov v29;
	v25 =	vshll.u32 v22, $0xB;
	(erf) = vpow2.f32 v58;
	v49 =	vpop (erf)  }
0x1ff: {  	v53 =	vshll.u32 v22, $0x7;
	v37 =	vmul.f32 v49, v48;
	v50 =	vpop (erf);
	(erf) = vpow2.f32 v60  }
0x200: {  	[tilespmem:v21+s16+$0x0] =	vst.idx.add.f32.msk $0xffff, v2;
	v54 =	vshll.u32 v24, $0x7;
	v28 =	vadd.f32 v45, v40;
	v51 =	vpop (erf);
	(erf) = vpow2.f32 v33  }
0x201: {  	v21 =	vand.u32 $0xFFFFC000, v25;
	v25 =	vshll.u32 v24, $0xB;
	[tilespmem:v31+s15+$0x0] =	vst.idx.add.f32.msk $0xffff, v37;
	v29 =	vpop (erf);
	(erf) = vpow2.f32 v63  }
0x202: {  	v25 =	vand.u32 $0xFFFFC000, v25;
	v21 =	vor.u32 v21, v32;
	v32 =	vmul.f32 $1.442695020e+00, v14;
	[tilespmem:v31+s16+$0x0] =	vst.idx.add.f32.msk $0xffff, v2;
	v31 =	vpop (erf)  }
0x203: {  	v25 =	vor.u32 v25, v26;
	v26 =	vand.u32 $0x380, v53;
	v58 =	vand.u32 $0x380, v54;
	v56 =	vpop (erf)  }
0x204: {  	s25 =	sadd.s32 $0x4, s25;
	v52 =	vshll.u32 v23, $0xB;
	v55 =	vshll.u32 v23, $0x7;
	v26 =	vor.u32 v26, v21;
	v57 =	vpop (erf)  }
0x205: {  	p2 =	slt.u32 s25, $0x7C;
	v25 =	vor.u32 v58, v25;
	v33 =	vand.u32 $0xFFFFC000, v52;
	v21 =	vand.u32 $0x380, v55;
	v59 =	vpop (erf)  }
.Ltmp3:
0x206: {  	v34 =	vadd.f32 v50, v47;
	v27 =	vor.u32 v33, v27;
	(erf) = vpow2.f32 v46;
	v60 =	vpop (erf);
	(pc) =	sbr.rel @p2 .LBB2_5-.Ltmp3, $4  }
0x207: {  	v29 =	vadd.f32 v29, v51;
	v21 =	vor.u32 v21, v27;
	(erf) = vpow2.f32 v42;
	v61 =	vpop (erf)  }
0x208: {  	(erf) = vpow2.f32 v38;
	v62 =	vadd.f32 v56, v31;
	v33 =	vadd.f32 v59, v57;
	v63 =	vpop (erf)  }
0x209: {  	v31 =	vmul.f32 $1.442695020e+00, v11;
	v27 =	vadd.f32 v29, v34;
	v34 =	vadd.f32 v61, v60;
	v11 =	vpop (erf)  }
0x20a: {  	s26 =	sadd.s32 $0x2, s26;
	p1 =	por !p1, !p1;
	v29 =	vmul.f32 $1.442695020e+00, v17;
	v33 =	vadd.f32 v33, v62;
	v14 =	vadd.f32 v11, v63;
	v35 =	vpop (erf)  }
0x20b: {  	_ =	sdelay $0x3  }
0x20c: {  	v11 =	vpop (erf)  }
0x20d: {  	v17 =	vpop (erf)  }
0x20e: {  	v36 =	vpop (erf)  }
0x20f: {  	v46 =	vld.idx.msk [tilespmem:v26+s12+$0x0], $0xffff;
	(erf) = vrcp.f32 v20;
	v11 =	vadd.f32 v11, v35;
	v17 =	vadd.f32 v36, v17  }
0x210: {  	v25 =	vld.idx.msk [tilespmem:v25+s12+$0x0], $0xffff;
	v14 =	vadd.f32 v14, v34;
	(erf) = vpow2.f32 v31  }
0x211: {  	v47 =	vadd.f32 v27, v33;
	(erf) = vpow2.f32 v32;
	v11 =	vadd.f32 v17, v11  }
0x212: {  	v48 =	vld.idx.msk [tilespmem:v21+s12+$0x0], $0xffff;
	v7 =	vmul.f32 v7, v18;
	v14 =	vadd.f32 v30, v14;
	(erf) = vpow2.f32 v29  }
0x213: {  	v51 =	vmul.f32 v13, v16;
	(erf) = vrcp.f32 v47;
	v11 =	vadd.f32 v28, v11  }
0x214: {  	v49 =	vmul.f32 $1.442695020e+00, v46;
	(erf) = vrcp.f32 v14  }
0x215: {  	v50 =	vmul.f32 $1.442695020e+00, v25;
	(erf) = vrcp.f32 v11  }
0x216: {  	v54 =	vmul.f32 v6, v12;
	(erf) = vpow2.f32 v49  }
0x217: {  	[tilespmem:v5+s15+$0x0] =	vst.idx.add.f32.msk $0xffff, v7;
	v52 =	vmul.f32 $1.442695020e+00, v48;
	(erf) = vpow2.f32 v50  }
0x218: {  	[tilespmem:v4+s15+$0x0] =	vst.idx.add.f32.msk $0xffff, v51;
	v53 =	vpop (erf)  }
0x219: {  	[tilespmem:v3+s15+$0x0] =	vst.idx.add.f32.msk $0xffff, v54;
	v55 =	vpop (erf);
	(erf) = vpow2.f32 v52  }
0x21a: {  	[tilespmem:v5+s16+$0x0] =	vst.idx.add.f32.msk $0xffff, v2;
	v56 =	vpop (erf)  }
0x21b: {  	[tilespmem:v4+s16+$0x0] =	vst.idx.add.f32.msk $0xffff, v2;
	v6 =	vmul.f32 v15, v55;
	v57 =	vpop (erf)  }
0x21c: {  	[tilespmem:v3+s16+$0x0] =	vst.idx.add.f32.msk $0xffff, v2;
	v58 =	vmul.f32 v19, v56;
	v59 =	vpop (erf)  }
0x21d: {  	[tilespmem:v8+s15+$0x0] =	vst.idx.add.f32.msk $0xffff, v6;
	v3 =	vpop (erf)  }
0x21e: {  	[tilespmem:v9+s15+$0x0] =	vst.idx.add.f32.msk $0xffff, v58;
	v60 =	vpop (erf)  }
0x21f: {  	v4 =	vmul.f32 v53, v57;
	[tilespmem:v8+s16+$0x0] =	vst.idx.add.f32.msk $0xffff, v2;
	v61 =	vpop (erf)  }
0x220: {  	[tilespmem:v9+s16+$0x0] =	vst.idx.add.f32.msk $0xffff, v2;
	v62 =	vpop (erf)  }
0x221: {  	[tilespmem:v10+s15+$0x0] =	vst.idx.add.f32.msk $0xffff, v4;
	v3 =	vmul.f32 v3, v62  }
0x222: {  	[tilespmem:v10+s16+$0x0] =	vst.idx.add.f32.msk $0xffff, v2;
	v63 =	vpop (erf)  }
0x223: {  	v4 =	vmul.f32 v60, v63;
	[tilespmem:v24+s15+$0x0] =	vst.idx.add.f32.msk $0xffff, v3  }
.Ltmp4:
0x224: {  	[tilespmem:v24+s16+$0x0] =	vst.idx.add.f32.msk $0xffff, v2;
	(pc) =	sbr.rel @p0 .LBB2_8-.Ltmp4, $4  }
0x225: {  	v3 =	vmul.f32 v59, v61;
	[tilespmem:v23+s15+$0x0] =	vst.idx.add.f32.msk $0xffff, v4  }
0x226: {  	[tilespmem:v23+s16+$0x0] =	vst.idx.add.f32.msk $0xffff, v2  }
0x227: {  	[tilespmem:v22+s15+$0x0] =	vst.idx.add.f32.msk $0xffff, v3  }
0x228: {  	[tilespmem:v22+s16+$0x0] =	vst.idx.add.f32.msk $0xffff, v2  }
.Ltmp5:
0x229: {  	(pc) =	sbr.rel .LBB2_2-.Ltmp5, $4  }
0x22a: {  	_ = 	snop  }
0x22b: {  	s0 =	rddreg [dreg:$0xb]  }
0x22c: {  	s20 =	sadd.s32 $0x1, s20;
	s0 =	sadd.s32 s21, s0  }
0x22d: {  	[tilespmem:s12], [sflag:$0x2] =	stream.linear.gather [hbm4b:s0+s2], $0x4000, $0x38;
	[tilespmem:$0x10100] =	vst v63  }
.LBB2_9:
0x22e: {  	_ =	sfence.sel $0x180000  }
0x22f: {  	[bflag:$0x0] =	sbarrier.arrive $0xFFFF  }
0x230: {  	_ =	strace $0x90000047  }
0x231: {  	s0 =	stileid.u32;
	[bflag:$0x2] =	sbarrier.arrive $0xFFFF  }
0x232: {  	p0 =	sne.s32 s0, $0x0;
	s0 =	rddreg [dreg:$0x3]  }
0x233: {  	s0 =	sadd.s32 @!p0 $0x100000, s0  }
0x234: {  	[sflag:s0] =	ssyncadd.tile.s32 @!p0 $0x1;
	_ =	shalt  }
.Lfunc_end2:
_tile_overlayer_lowered:
.L_overlay_start_2:
0x235: {  	(tag) =	ssettag $0x2  }
0x236: {  	s0 =	rddreg [dreg:$0x0];
	s2 =	stileid.u32  }
0x237: {  	s1 =	rddreg [dreg:$0x1];
	p0 =	sne.s32 s2, $0x0  }
0x238: {  	s3 =	rddreg [dreg:$0x2];
	[bflag:$0x3] =	sbarrier.arrive $0xFFFF;
	s2 =	simm.s32 @!p0 $0x1C04  }
0x239: {  	[timem:s3], [sflag:s2] =	dma.local @!p0 [hbm:s0], s1  }
0x23a: {  	s0 =	simm.s32 @!p0 $0x4  }
0x23b: {  	_ =	swait.ge @!p0 [sflag:s0], s1  }
0x23c: {  	s1 =	ssub.s32 @!p0 $0x0, s1;
	[sflag:s0] =	ssyncset.done @!p0 $0x0  }
0x23d: {  	[sflag:s0] =	ssyncadd.s32 @!p0 s1  }
0x23e: {  	[bflag:$0x3] =	sbarrier.arrive $0xFFFF  }
0x23f: {  	_ =	shalt  }

</sc_bundles>
